<compile_context>
chip_gen: v7x
topology: tpu7x:2x2x1
jax: 0.10.2.dev20260603
libtpu: 0.0.44.dev20260713+nightly
codegen_flags: <defaults>
</compile_context>

<pallas_src>
import functools

import jax
import jax.numpy as jnp
from jax import lax
from jax.experimental import pallas as pl
from jax.experimental.pallas import tpu as pltpu
from jax.experimental.pallas import tpu_sc as plsc

N = 10000
E = 320000
D = 128
H = 128
G = 64
EPS = 1e-5

NC = 2
NS = 16
NW = NC * NS
L = 16

NP = 10240
ROWS_PER_TILE = NP // NS
EPT_A = E // NW
CB = 128
NCHUNK = 81
EPT_C = CB * NCHUNK
E2PAD = NW * EPT_C


def _deg_body(dst_hbm, ew_hbm, degp_hbm, dstv, ewv, degv):
    cid = lax.axis_index("c")
    sid = lax.axis_index("s")
    wid = sid * NC + cid
    pltpu.sync_copy(dst_hbm.at[wid], dstv)
    pltpu.sync_copy(ew_hbm.at[wid], ewv)

    def zero_body(i, _):
        degv[pl.ds(i * L, L)] = jnp.zeros((L,), jnp.float32)
        return 0

    lax.fori_loop(0, NP // L, zero_body, 0)

    def edge_body(i, _):
        d16 = dstv[pl.ds(i * L, L)]
        w16 = ewv[pl.ds(i * L, L)]
        plsc.addupdate_scatter(degv, [d16], w16)
        return 0

    lax.fori_loop(0, EPT_A // L, edge_body, 0)
    pltpu.sync_copy(degv, degp_hbm.at[wid])


_deg_kernel = functools.partial(
    pl.kernel,
    out_type=jax.ShapeDtypeStruct((NW, NP), jnp.float32),
    mesh=plsc.VectorSubcoreMesh(core_axis_name="c", subcore_axis_name="s"),
    compiler_params=pltpu.CompilerParams(needs_layout_passes=False),
    scratch_types=[
        pltpu.VMEM((EPT_A,), jnp.int32),
        pltpu.VMEM((EPT_A,), jnp.float32),
        pltpu.VMEM((NP,), jnp.float32),
    ],
)(_deg_body)


def _prep_body(x_ref, w_ref, degp_ref, xw_ref, dinv_ref):
    deg = jnp.sum(degp_ref[...], axis=0, keepdims=True) + 1.0
    dinv = jnp.where(deg > 0, lax.rsqrt(jnp.maximum(deg, EPS)), 0.0)
    dinv_ref[...] = dinv
    xw_ref[...] = jnp.dot(x_ref[...], w_ref[...],
                          preferred_element_type=jnp.float32)


def _msg_body(sd_hbm, ew_hbm, dinv_hbm, xw_hbm, accp_hbm,
              sdv, ewv, rows0, cbuf0, dinvv, acc, sem, sem2):
    cid = lax.axis_index("c")
    sid = lax.axis_index("s")
    wid = sid * NC + cid
    pltpu.sync_copy(dinv_hbm.at[0], dinvv)

    def zrow(r, _):
        for k in range(8):
            rows0[r, pl.ds(k * L, L)] = jnp.zeros((L,), jnp.float32)
        return 0

    lax.fori_loop(0, CB, zrow, 0)
    r0 = sid * ROWS_PER_TILE
    for j in range(ROWS_PER_TILE // CB):
        pltpu.sync_copy(rows0.at[pl.ds(0, CB)], acc.at[pl.ds(r0 + j * CB, CB)])
    plsc.subcore_barrier()

    def compute_c(cbuf):
        for k in range(CB // L):
            s16 = sdv[0, pl.ds(k * L, L)]
            d16 = sdv[1, pl.ds(k * L, L)]
            w16 = ewv[0, pl.ds(k * L, L)]
            cbuf[pl.ds(k * L, L)] = (plsc.load_gather(dinvv, [s16]) * w16 *
                                     plsc.load_gather(dinvv, [d16]))

    def scale(rows, cbuf):
        def sbody(r, _):
            e = cbuf[pl.ds(r, L)][0]
            for k in range(8):
                rows[r, pl.ds(k * L, L)] = rows[r, pl.ds(k * L, L)] * e
            return 0

        lax.fori_loop(0, CB, sbody, 0)

    def chunk_body(j, _):
        pltpu.sync_copy(sd_hbm.at[wid, j], sdv)
        pltpu.sync_copy(ew_hbm.at[wid, j], ewv)
        gather = pltpu.async_copy(xw_hbm.at[sdv.at[0]], rows0, sem)
        compute_c(cbuf0)
        gather.wait()
        scale(rows0, cbuf0)
        pltpu.async_copy(rows0, acc.at[sdv.at[1]], sem2, add=True).wait()
        return 0

    lax.fori_loop(0, NCHUNK, chunk_body, 0)
    plsc.subcore_barrier()
    pltpu.sync_copy(acc.at[pl.ds(r0, ROWS_PER_TILE)],
                    accp_hbm.at[cid, pl.ds(r0, ROWS_PER_TILE)])


_msg_kernel = functools.partial(
    pl.kernel,
    out_type=jax.ShapeDtypeStruct((NC, NP, H), jnp.float32),
    mesh=plsc.VectorSubcoreMesh(core_axis_name="c", subcore_axis_name="s"),
    compiler_params=pltpu.CompilerParams(needs_layout_passes=False),
    scratch_types=[
        pltpu.VMEM((2, CB), jnp.int32),
        pltpu.VMEM((1, CB), jnp.float32),
        pltpu.VMEM((CB, H), jnp.float32),
        pltpu.VMEM((CB + L,), jnp.float32),
        pltpu.VMEM((NP,), jnp.float32),
        pltpu.VMEM_SHARED((NP, H), jnp.float32),
        pltpu.SemaphoreType.DMA,
        pltpu.SemaphoreType.DMA,
    ],
)(_msg_body)


def _post_body(a0_ref, a1_ref, brow_ref, bcol_ref, bias_ref, gnw_ref,
               gnb_ref, gms_ref, h_ref, flat_ref):
    h_pre = a0_ref[...] + a1_ref[...] + bias_ref[...]
    iota_gc = lax.broadcasted_iota(jnp.int32, (G, 1), 0)
    iota_gr = lax.broadcasted_iota(jnp.int32, (1, G), 1)
    mt = (brow_ref[...] == iota_gc).astype(jnp.float32)
    m = (bcol_ref[...] == iota_gr).astype(jnp.float32)
    cnt = jnp.maximum(jnp.sum(mt, axis=1, keepdims=True), 1.0)
    mean = jnp.dot(mt, h_pre, preferred_element_type=jnp.float32) / cnt
    mean_pn = jnp.dot(m, mean, preferred_element_type=jnp.float32)
    centered = h_pre - mean_pn * gms_ref[...]
    var = jnp.dot(mt, centered * centered,
                  preferred_element_type=jnp.float32) / cnt
    rstd = lax.rsqrt(var + EPS)
    rstd_pn = jnp.dot(m, rstd, preferred_element_type=jnp.float32)
    h = gnw_ref[...] * centered * rstd_pn + gnb_ref[...]
    h = jnp.maximum(h, 0.0)
    h_ref[...] = h

    neg_inf = jnp.float32(-jnp.inf)

    def seg_max(g, _):
        mask = bcol_ref[...] == g
        hm = jnp.where(mask, h, neg_inf)
        flat_ref[pl.ds(g, 1), :] = jnp.max(hm, axis=0, keepdims=True)
        return 0

    lax.fori_loop(0, G, seg_max, 0)


def kernel(inputs, edge_index, batch, edge_weight, W, b, gn_weight, gn_bias,
           gn_mean_scale):
    src = edge_index[0]
    dst = edge_index[1]

    dst2d = dst.reshape(NW, EPT_A)
    ew2d = edge_weight.reshape(NW, EPT_A)
    degp = _deg_kernel(dst2d, ew2d)

    xpad = jnp.zeros((NP, D), jnp.float32).at[:N].set(inputs)
    xw, dinv = pl.pallas_call(
        _prep_body,
        out_shape=(
            jax.ShapeDtypeStruct((NP, H), jnp.float32),
            jax.ShapeDtypeStruct((1, NP), jnp.float32),
        ),
    )(xpad, W, degp)

    loop = jnp.arange(NP, dtype=jnp.int32)
    pad = E2PAD - (E + NP)
    src2 = jnp.concatenate(
        [src, loop, jnp.full((pad,), NP - 1, jnp.int32)]).reshape(
            NW, NCHUNK, CB)
    dst2 = jnp.concatenate(
        [dst, loop, jnp.full((pad,), NP - 1, jnp.int32)]).reshape(
            NW, NCHUNK, CB)
    sd = jnp.stack([src2, dst2], axis=2)
    ew2 = jnp.concatenate(
        [edge_weight, jnp.ones((NP,), jnp.float32),
         jnp.zeros((pad,), jnp.float32)]).reshape(NW, NCHUNK, 1, CB)
    accp = _msg_kernel(sd, ew2, dinv, xw)

    h, flat = pl.pallas_call(
        _post_body,
        out_shape=(
            jax.ShapeDtypeStruct((N, H), jnp.float32),
            jax.ShapeDtypeStruct((G, H), jnp.float32),
        ),
    )(
        accp[0, :N], accp[1, :N],
        batch[None, :], batch[:, None],
        b[None, :], gn_weight[None, :], gn_bias[None, :],
        gn_mean_scale[None, :],
    )
    return (h, flat, edge_index, edge_weight, batch)

# --- scband reference (transcript-rebuilt; emitter-appended) ---
"""Pipeline reference for scband-gcnblock-20744692039840 (READ-ONLY COPY).

The authoritative reference and input builder live on the scoring server;
editing this copy changes nothing except your own understanding.
"""

import jax, jax.numpy as jnp
import numpy as np

N = 10000
E = 320000
D = 128
H = 128
G = 64
EPS = 1e-5


def setup_inputs(seed: int = 0) -> dict:
    key = jax.random.key(seed)
    ks = jax.random.split(key, 8)
    inputs = jax.random.normal(ks[0], (N, D), dtype=jnp.float32)
    edge_index = jax.random.randint(ks[1], (2, E), 0, N, dtype=jnp.int32)
    batch = jnp.sort(jax.random.randint(ks[2], (N,), 0, G, dtype=jnp.int32))
    edge_weight = jax.random.uniform(ks[3], (E,), dtype=jnp.float32)
    W = jax.random.normal(ks[4], (D, H), dtype=jnp.float32) * (1.0 / np.sqrt(D))
    b = jnp.zeros((H,), dtype=jnp.float32)
    gn_weight = jnp.ones((H,), dtype=jnp.float32)
    gn_bias = jnp.zeros((H,), dtype=jnp.float32)
    gn_mean_scale = jnp.ones((H,), dtype=jnp.float32)
    return {
        "inputs": inputs,
        "edge_index": edge_index,
        "batch": batch,
        "edge_weight": edge_weight,
        "W": W,
        "b": b,
        "gn_weight": gn_weight,
        "gn_bias": gn_bias,
        "gn_mean_scale": gn_mean_scale,
    }


def _gcn_conv(x, edge_index, edge_weight, W, b):
    src = edge_index[0]
    dst = edge_index[1]
    # GCNConv default: add self loops with weight 1
    loop = jnp.arange(N, dtype=src.dtype)
    src2 = jnp.concatenate([src, loop])
    dst2 = jnp.concatenate([dst, loop])
    ew2 = jnp.concatenate([edge_weight, jnp.ones((N,), dtype=edge_weight.dtype)])
    # symmetric normalization D^-1/2 A D^-1/2
    deg = jnp.zeros((N,), dtype=x.dtype).at[dst2].add(ew2)
    dinv = jax.lax.rsqrt(jnp.maximum(deg, EPS))
    dinv = jnp.where(deg > 0, dinv, 0.0)
    norm = dinv[src2] * ew2 * dinv[dst2]
    xw = x @ W
    msg = xw[src2] * norm[:, None]
    out = jnp.zeros((N, H), dtype=x.dtype).at[dst2].add(msg)
    return out + b


def _graph_norm(x, batch, weight, bias, mean_scale):
    ones = jnp.ones((N,), dtype=x.dtype)
    cnt = jax.ops.segment_sum(ones, batch, num_segments=G)
    cnt = jnp.maximum(cnt, 1.0)
    mean = jax.ops.segment_sum(x, batch, num_segments=G) / cnt[:, None]
    centered = x - mean[batch] * mean_scale
    var = jax.ops.segment_sum(centered * centered, batch, num_segments=G) / cnt[:, None]
    std = jnp.sqrt(var + EPS)
    return weight * centered / std[batch] + bias


def reference(inputs, edge_index, batch, edge_weight, W, b, gn_weight, gn_bias, gn_mean_scale):
    h = _gcn_conv(inputs, edge_index, edge_weight, W, b)
    h = _graph_norm(h, batch, gn_weight, gn_bias, gn_mean_scale)
    # add_residue = False
    h = jax.nn.relu(h)
    flat = jax.ops.segment_max(h, batch, num_segments=G)
    return (h, flat, edge_index, edge_weight, batch)

if __name__ == "__main__":
    import jax
    _d = setup_inputs()
    print(jax.jit(kernel)(*tuple(_d.values())))

</pallas_src>

<mosaic_0001>
#map = affine_map<(d0, d1) -> (0, 0, 0, 0)>
#map1 = affine_map<(d0, d1) -> (0, 0)>
#map2 = affine_map<(d0, d1) -> (0, 0, 0)>
module attributes {stable_mosaic.version = 14 : i64} {
  func.func @_msg_body(%arg0: i32, %arg1: i32, %arg2: memref<32x81x2x128xi32, #tpu.memory_space<hbm>>, %arg3: memref<32x81x1x128xf32, #tpu.memory_space<hbm>>, %arg4: memref<1x10240xf32, #tpu.memory_space<hbm>>, %arg5: memref<10240x128xf32, #tpu.memory_space<hbm>>, %arg6: memref<2x10240x128xf32, #tpu.memory_space<hbm>>, %arg7: memref<2x128xi32, #tpu.memory_space<vmem>>, %arg8: memref<1x128xf32, #tpu.memory_space<vmem>>, %arg9: memref<128x128xf32, #tpu.memory_space<vmem>>, %arg10: memref<144xf32, #tpu.memory_space<vmem>>, %arg11: memref<10240xf32, #tpu.memory_space<vmem>>, %arg12: memref<10240x128xf32, #tpu.memory_space<vmem_shared>>, %arg13: memref<!tpu.dma_semaphore, #tpu.memory_space<semaphore_mem>>, %arg14: memref<!tpu.dma_semaphore, #tpu.memory_space<semaphore_mem>>) attributes {dimension_semantics = [#tpu.dimension_semantics<core_parallel>, #tpu.dimension_semantics<subcore_parallel>], iteration_bounds = array<i64: 2, 16>, scalar_prefetch = 0 : i64, scratch_operands = 8 : i64, tpu.core_type = #tpu.core_type<sc_vector_subcore>, window_params = [{transform_indices = #map}, {transform_indices = #map}, {transform_indices = #map1}, {transform_indices = #map1}, {transform_indices = #map2}]} {
    %mul3A = arith.constant 2 : i32
    %mul3A_0 = arith.muli %arg1, %mul3A : i32
    %add3A = arith.addi %mul3A_0, %arg0 : i32
    %run_scoped3A = arith.constant 0 : i32
    "tpu.region"() ({
      %run_scoped3A_27 = tpu.sem_alloc : memref<!tpu.dma_semaphore, #tpu.memory_space<semaphore_mem>>
      %dma_start3A = arith.constant 0 : i32
      %dma_start3A_28 = tpu.memref_slice %arg4[%run_scoped3A, %dma_start3A] : memref<1x10240xf32, #tpu.memory_space<hbm>> -> memref<1x10240xf32, #tpu.memory_space<hbm>>
      %dma_start3A_29 = tpu.memref_squeeze %dma_start3A_28 : memref<1x10240xf32, #tpu.memory_space<hbm>> -> memref<10240xf32, #tpu.memory_space<hbm>>
      %dma_start3A_30 = arith.constant 0 : i32
      %dma_start3A_31 = tpu.memref_slice %arg4[%run_scoped3A, %dma_start3A_30] : memref<1x10240xf32, #tpu.memory_space<hbm>> -> memref<1x10240xf32, #tpu.memory_space<hbm>>
      %dma_start3A_32 = tpu.memref_squeeze %dma_start3A_31 : memref<1x10240xf32, #tpu.memory_space<hbm>> -> memref<10240xf32, #tpu.memory_space<hbm>>
      tpu.enqueue_dma source(%dma_start3A_32 : memref<10240xf32, #tpu.memory_space<hbm>>) target(%arg11 : memref<10240xf32, #tpu.memory_space<vmem>>) target_semaphore(%run_scoped3A_27 : memref<!tpu.dma_semaphore, #tpu.memory_space<semaphore_mem>>)
      %dma_wait3A = arith.constant 0 : i32
      %dma_wait3A_33 = tpu.memref_slice %arg4[%run_scoped3A, %dma_wait3A] : memref<1x10240xf32, #tpu.memory_space<hbm>> -> memref<1x10240xf32, #tpu.memory_space<hbm>>
      %dma_wait3A_34 = tpu.memref_squeeze %dma_wait3A_33 : memref<1x10240xf32, #tpu.memory_space<hbm>> -> memref<10240xf32, #tpu.memory_space<hbm>>
      %dma_wait3A_35 = arith.constant 0 : i32
      %dma_wait3A_36 = tpu.memref_slice %arg4[%run_scoped3A, %dma_wait3A_35] : memref<1x10240xf32, #tpu.memory_space<hbm>> -> memref<1x10240xf32, #tpu.memory_space<hbm>>
      %dma_wait3A_37 = tpu.memref_squeeze %dma_wait3A_36 : memref<1x10240xf32, #tpu.memory_space<hbm>> -> memref<10240xf32, #tpu.memory_space<hbm>>
      tpu.wait_dma2 semaphore(%run_scoped3A_27 : memref<!tpu.dma_semaphore, #tpu.memory_space<semaphore_mem>>) src(%dma_wait3A_37 : memref<10240xf32, #tpu.memory_space<hbm>>) dst(%arg11 : memref<10240xf32, #tpu.memory_space<vmem>>)
      tpu.yield
    }) : () -> ()
    %scan3A = arith.constant 0 : i32
    %scan3A_1 = arith.constant 0 : i32
    %scan3A_2 = arith.constant 128 : i32
    %scan3A_3 = arith.addi %scan3A_1, %scan3A_2 : i32
    %scan3A_4 = arith.constant 1 : i32
    %scan3A_5 = scf.for %scan3A_27 = %scan3A_1 to %scan3A_3 step %scan3A_4 iter_args(%scan3A_28 = %scan3A) -> (i32)  : i32 {
      %broadcast_in_dim3A = arith.constant 0.000000e+00 : f32
      %broadcast_in_dim3A_29 = vector.broadcast %broadcast_in_dim3A : f32 to vector<16xf32>
      %swap3A = arith.index_cast %scan3A_27 : i32 to index
      %swap3A_30 = arith.constant 0 : index
      %swap3A_31 = tpu.vector_load %arg9[%swap3A, %swap3A_30] {strides = array<i32>} : memref<128x128xf32, #tpu.memory_space<vmem>>, vector<16xf32>,
      tpu.vector_store %arg9[%swap3A, %swap3A_30], %broadcast_in_dim3A_29 {strides = array<i32>} : memref<128x128xf32, #tpu.memory_space<vmem>>, vector<16xf32>,
      %broadcast_in_dim3A_32 = arith.constant 0.000000e+00 : f32
      %broadcast_in_dim3A_33 = vector.broadcast %broadcast_in_dim3A_32 : f32 to vector<16xf32>
      %swap3A_34 = arith.index_cast %scan3A_27 : i32 to index
      %swap3A_35 = arith.constant 16 : index
      %swap3A_36 = tpu.vector_load %arg9[%swap3A_34, %swap3A_35] {strides = array<i32>} : memref<128x128xf32, #tpu.memory_space<vmem>>, vector<16xf32>,
      tpu.vector_store %arg9[%swap3A_34, %swap3A_35], %broadcast_in_dim3A_33 {strides = array<i32>} : memref<128x128xf32, #tpu.memory_space<vmem>>, vector<16xf32>,
      %broadcast_in_dim3A_37 = arith.constant 0.000000e+00 : f32
      %broadcast_in_dim3A_38 = vector.broadcast %broadcast_in_dim3A_37 : f32 to vector<16xf32>
      %swap3A_39 = arith.index_cast %scan3A_27 : i32 to index
      %swap3A_40 = arith.constant 32 : index
      %swap3A_41 = tpu.vector_load %arg9[%swap3A_39, %swap3A_40] {strides = array<i32>} : memref<128x128xf32, #tpu.memory_space<vmem>>, vector<16xf32>,
      tpu.vector_store %arg9[%swap3A_39, %swap3A_40], %broadcast_in_dim3A_38 {strides = array<i32>} : memref<128x128xf32, #tpu.memory_space<vmem>>, vector<16xf32>,
      %broadcast_in_dim3A_42 = arith.constant 0.000000e+00 : f32
      %broadcast_in_dim3A_43 = vector.broadcast %broadcast_in_dim3A_42 : f32 to vector<16xf32>
      %swap3A_44 = arith.index_cast %scan3A_27 : i32 to index
      %swap3A_45 = arith.constant 48 : index
      %swap3A_46 = tpu.vector_load %arg9[%swap3A_44, %swap3A_45] {strides = array<i32>} : memref<128x128xf32, #tpu.memory_space<vmem>>, vector<16xf32>,
      tpu.vector_store %arg9[%swap3A_44, %swap3A_45], %broadcast_in_dim3A_43 {strides = array<i32>} : memref<128x128xf32, #tpu.memory_space<vmem>>, vector<16xf32>,
      %broadcast_in_dim3A_47 = arith.constant 0.000000e+00 : f32
      %broadcast_in_dim3A_48 = vector.broadcast %broadcast_in_dim3A_47 : f32 to vector<16xf32>
      %swap3A_49 = arith.index_cast %scan3A_27 : i32 to index
      %swap3A_50 = arith.constant 64 : index
      %swap3A_51 = tpu.vector_load %arg9[%swap3A_49, %swap3A_50] {strides = array<i32>} : memref<128x128xf32, #tpu.memory_space<vmem>>, vector<16xf32>,
      tpu.vector_store %arg9[%swap3A_49, %swap3A_50], %broadcast_in_dim3A_48 {strides = array<i32>} : memref<128x128xf32, #tpu.memory_space<vmem>>, vector<16xf32>,
      %broadcast_in_dim3A_52 = arith.constant 0.000000e+00 : f32
      %broadcast_in_dim3A_53 = vector.broadcast %broadcast_in_dim3A_52 : f32 to vector<16xf32>
      %swap3A_54 = arith.index_cast %scan3A_27 : i32 to index
      %swap3A_55 = arith.constant 80 : index
      %swap3A_56 = tpu.vector_load %arg9[%swap3A_54, %swap3A_55] {strides = array<i32>} : memref<128x128xf32, #tpu.memory_space<vmem>>, vector<16xf32>,
      tpu.vector_store %arg9[%swap3A_54, %swap3A_55], %broadcast_in_dim3A_53 {strides = array<i32>} : memref<128x128xf32, #tpu.memory_space<vmem>>, vector<16xf32>,
      %broadcast_in_dim3A_57 = arith.constant 0.000000e+00 : f32
      %broadcast_in_dim3A_58 = vector.broadcast %broadcast_in_dim3A_57 : f32 to vector<16xf32>
      %swap3A_59 = arith.index_cast %scan3A_27 : i32 to index
      %swap3A_60 = arith.constant 96 : index
      %swap3A_61 = tpu.vector_load %arg9[%swap3A_59, %swap3A_60] {strides = array<i32>} : memref<128x128xf32, #tpu.memory_space<vmem>>, vector<16xf32>,
      tpu.vector_store %arg9[%swap3A_59, %swap3A_60], %broadcast_in_dim3A_58 {strides = array<i32>} : memref<128x128xf32, #tpu.memory_space<vmem>>, vector<16xf32>,
      %broadcast_in_dim3A_62 = arith.constant 0.000000e+00 : f32
      %broadcast_in_dim3A_63 = vector.broadcast %broadcast_in_dim3A_62 : f32 to vector<16xf32>
      %swap3A_64 = arith.index_cast %scan3A_27 : i32 to index
      %swap3A_65 = arith.constant 112 : index
      %swap3A_66 = tpu.vector_load %arg9[%swap3A_64, %swap3A_65] {strides = array<i32>} : memref<128x128xf32, #tpu.memory_space<vmem>>, vector<16xf32>,
      tpu.vector_store %arg9[%swap3A_64, %swap3A_65], %broadcast_in_dim3A_63 {strides = array<i32>} : memref<128x128xf32, #tpu.memory_space<vmem>>, vector<16xf32>,
      %scan3A_67 = arith.constant 0 : i32
      scf.yield %scan3A_67 : i32
    }
    %scan3A_6 = arith.constant 128 : i32
    %mul3A_7 = arith.constant 640 : i32
    %mul3A_8 = arith.muli %arg1, %mul3A_7 : i32
    %add3A_9 = arith.constant 0 : i32
    %add3A_10 = arith.addi %mul3A_8, %add3A_9 : i32
    "tpu.region"() ({
      %run_scoped3A_27 = tpu.sem_alloc : memref<!tpu.dma_semaphore, #tpu.memory_space<semaphore_mem>>
      %dma_start3A = arith.constant 0 : i32
      %dma_start3A_28 = arith.constant 0 : i32
      %dma_start3A_29 = tpu.memref_slice %arg9[%dma_start3A, %dma_start3A_28] : memref<128x128xf32, #tpu.memory_space<vmem>> -> memref<128x128xf32, #tpu.memory_space<vmem>>
      %dma_start3A_30 = arith.constant 0 : i32
      %dma_start3A_31 = tpu.memref_slice %arg12[%add3A_10, %dma_start3A_30] : memref<10240x128xf32, #tpu.memory_space<vmem_shared>> -> memref<128x128xf32, #tpu.memory_space<vmem_shared>>
      %dma_start3A_32 = arith.constant 0 : i32
      %dma_start3A_33 = tpu.memref_slice %arg12[%add3A_10, %dma_start3A_32] : memref<10240x128xf32, #tpu.memory_space<vmem_shared>> -> memref<128x128xf32, #tpu.memory_space<vmem_shared>>
      %dma_start3A_34 = arith.constant 0 : i32
      %dma_start3A_35 = arith.constant 0 : i32
      %dma_start3A_36 = tpu.memref_slice %arg9[%dma_start3A_34, %dma_start3A_35] : memref<128x128xf32, #tpu.memory_space<vmem>> -> memref<128x128xf32, #tpu.memory_space<vmem>>
      tpu.enqueue_dma source(%dma_start3A_36 : memref<128x128xf32, #tpu.memory_space<vmem>>) target(%dma_start3A_33 : memref<128x128xf32, #tpu.memory_space<vmem_shared>>) target_semaphore(%run_scoped3A_27 : memref<!tpu.dma_semaphore, #tpu.memory_space<semaphore_mem>>)
      %dma_wait3A = arith.constant 0 : i32
      %dma_wait3A_37 = arith.constant 0 : i32
      %dma_wait3A_38 = tpu.memref_slice %arg9[%dma_wait3A, %dma_wait3A_37] : memref<128x128xf32, #tpu.memory_space<vmem>> -> memref<128x128xf32, #tpu.memory_space<vmem>>
      %dma_wait3A_39 = arith.constant 0 : i32
      %dma_wait3A_40 = tpu.memref_slice %arg12[%add3A_10, %dma_wait3A_39] : memref<10240x128xf32, #tpu.memory_space<vmem_shared>> -> memref<128x128xf32, #tpu.memory_space<vmem_shared>>
      %dma_wait3A_41 = arith.constant 0 : i32
      %dma_wait3A_42 = tpu.memref_slice %arg12[%add3A_10, %dma_wait3A_41] : memref<10240x128xf32, #tpu.memory_space<vmem_shared>> -> memref<128x128xf32, #tpu.memory_space<vmem_shared>>
      %dma_wait3A_43 = arith.constant 0 : i32
      %dma_wait3A_44 = arith.constant 0 : i32
      %dma_wait3A_45 = tpu.memref_slice %arg9[%dma_wait3A_43, %dma_wait3A_44] : memref<128x128xf32, #tpu.memory_space<vmem>> -> memref<128x128xf32, #tpu.memory_space<vmem>>
      tpu.wait_dma2 semaphore(%run_scoped3A_27 : memref<!tpu.dma_semaphore, #tpu.memory_space<semaphore_mem>>) src(%dma_wait3A_45 : memref<128x128xf32, #tpu.memory_space<vmem>>) dst(%dma_wait3A_42 : memref<128x128xf32, #tpu.memory_space<vmem_shared>>)
      tpu.yield
    }) : () -> ()
    %add3A_11 = arith.constant 128 : i32
    %add3A_12 = arith.addi %mul3A_8, %add3A_11 : i32
    "tpu.region"() ({
      %run_scoped3A_27 = tpu.sem_alloc : memref<!tpu.dma_semaphore, #tpu.memory_space<semaphore_mem>>
      %dma_start3A = arith.constant 0 : i32
      %dma_start3A_28 = arith.constant 0 : i32
      %dma_start3A_29 = tpu.memref_slice %arg9[%dma_start3A, %dma_start3A_28] : memref<128x128xf32, #tpu.memory_space<vmem>> -> memref<128x128xf32, #tpu.memory_space<vmem>>
      %dma_start3A_30 = arith.constant 0 : i32
      %dma_start3A_31 = tpu.memref_slice %arg12[%add3A_12, %dma_start3A_30] : memref<10240x128xf32, #tpu.memory_space<vmem_shared>> -> memref<128x128xf32, #tpu.memory_space<vmem_shared>>
      %dma_start3A_32 = arith.constant 0 : i32
      %dma_start3A_33 = tpu.memref_slice %arg12[%add3A_12, %dma_start3A_32] : memref<10240x128xf32, #tpu.memory_space<vmem_shared>> -> memref<128x128xf32, #tpu.memory_space<vmem_shared>>
      %dma_start3A_34 = arith.constant 0 : i32
      %dma_start3A_35 = arith.constant 0 : i32
      %dma_start3A_36 = tpu.memref_slice %arg9[%dma_start3A_34, %dma_start3A_35] : memref<128x128xf32, #tpu.memory_space<vmem>> -> memref<128x128xf32, #tpu.memory_space<vmem>>
      tpu.enqueue_dma source(%dma_start3A_36 : memref<128x128xf32, #tpu.memory_space<vmem>>) target(%dma_start3A_33 : memref<128x128xf32, #tpu.memory_space<vmem_shared>>) target_semaphore(%run_scoped3A_27 : memref<!tpu.dma_semaphore, #tpu.memory_space<semaphore_mem>>)
      %dma_wait3A = arith.constant 0 : i32
      %dma_wait3A_37 = arith.constant 0 : i32
      %dma_wait3A_38 = tpu.memref_slice %arg9[%dma_wait3A, %dma_wait3A_37] : memref<128x128xf32, #tpu.memory_space<vmem>> -> memref<128x128xf32, #tpu.memory_space<vmem>>
      %dma_wait3A_39 = arith.constant 0 : i32
      %dma_wait3A_40 = tpu.memref_slice %arg12[%add3A_12, %dma_wait3A_39] : memref<10240x128xf32, #tpu.memory_space<vmem_shared>> -> memref<128x128xf32, #tpu.memory_space<vmem_shared>>
      %dma_wait3A_41 = arith.constant 0 : i32
      %dma_wait3A_42 = tpu.memref_slice %arg12[%add3A_12, %dma_wait3A_41] : memref<10240x128xf32, #tpu.memory_space<vmem_shared>> -> memref<128x128xf32, #tpu.memory_space<vmem_shared>>
      %dma_wait3A_43 = arith.constant 0 : i32
      %dma_wait3A_44 = arith.constant 0 : i32
      %dma_wait3A_45 = tpu.memref_slice %arg9[%dma_wait3A_43, %dma_wait3A_44] : memref<128x128xf32, #tpu.memory_space<vmem>> -> memref<128x128xf32, #tpu.memory_space<vmem>>
      tpu.wait_dma2 semaphore(%run_scoped3A_27 : memref<!tpu.dma_semaphore, #tpu.memory_space<semaphore_mem>>) src(%dma_wait3A_45 : memref<128x128xf32, #tpu.memory_space<vmem>>) dst(%dma_wait3A_42 : memref<128x128xf32, #tpu.memory_space<vmem_shared>>)
      tpu.yield
    }) : () -> ()
    %add3A_13 = arith.constant 256 : i32
    %add3A_14 = arith.addi %mul3A_8, %add3A_13 : i32
    "tpu.region"() ({
      %run_scoped3A_27 = tpu.sem_alloc : memref<!tpu.dma_semaphore, #tpu.memory_space<semaphore_mem>>
      %dma_start3A = arith.constant 0 : i32
      %dma_start3A_28 = arith.constant 0 : i32
      %dma_start3A_29 = tpu.memref_slice %arg9[%dma_start3A, %dma_start3A_28] : memref<128x128xf32, #tpu.memory_space<vmem>> -> memref<128x128xf32, #tpu.memory_space<vmem>>
      %dma_start3A_30 = arith.constant 0 : i32
      %dma_start3A_31 = tpu.memref_slice %arg12[%add3A_14, %dma_start3A_30] : memref<10240x128xf32, #tpu.memory_space<vmem_shared>> -> memref<128x128xf32, #tpu.memory_space<vmem_shared>>
      %dma_start3A_32 = arith.constant 0 : i32
      %dma_start3A_33 = tpu.memref_slice %arg12[%add3A_14, %dma_start3A_32] : memref<10240x128xf32, #tpu.memory_space<vmem_shared>> -> memref<128x128xf32, #tpu.memory_space<vmem_shared>>
      %dma_start3A_34 = arith.constant 0 : i32
      %dma_start3A_35 = arith.constant 0 : i32
      %dma_start3A_36 = tpu.memref_slice %arg9[%dma_start3A_34, %dma_start3A_35] : memref<128x128xf32, #tpu.memory_space<vmem>> -> memref<128x128xf32, #tpu.memory_space<vmem>>
      tpu.enqueue_dma source(%dma_start3A_36 : memref<128x128xf32, #tpu.memory_space<vmem>>) target(%dma_start3A_33 : memref<128x128xf32, #tpu.memory_space<vmem_shared>>) target_semaphore(%run_scoped3A_27 : memref<!tpu.dma_semaphore, #tpu.memory_space<semaphore_mem>>)
      %dma_wait3A = arith.constant 0 : i32
      %dma_wait3A_37 = arith.constant 0 : i32
      %dma_wait3A_38 = tpu.memref_slice %arg9[%dma_wait3A, %dma_wait3A_37] : memref<128x128xf32, #tpu.memory_space<vmem>> -> memref<128x128xf32, #tpu.memory_space<vmem>>
      %dma_wait3A_39 = arith.constant 0 : i32
      %dma_wait3A_40 = tpu.memref_slice %arg12[%add3A_14, %dma_wait3A_39] : memref<10240x128xf32, #tpu.memory_space<vmem_shared>> -> memref<128x128xf32, #tpu.memory_space<vmem_shared>>
      %dma_wait3A_41 = arith.constant 0 : i32
      %dma_wait3A_42 = tpu.memref_slice %arg12[%add3A_14, %dma_wait3A_41] : memref<10240x128xf32, #tpu.memory_space<vmem_shared>> -> memref<128x128xf32, #tpu.memory_space<vmem_shared>>
      %dma_wait3A_43 = arith.constant 0 : i32
      %dma_wait3A_44 = arith.constant 0 : i32
      %dma_wait3A_45 = tpu.memref_slice %arg9[%dma_wait3A_43, %dma_wait3A_44] : memref<128x128xf32, #tpu.memory_space<vmem>> -> memref<128x128xf32, #tpu.memory_space<vmem>>
      tpu.wait_dma2 semaphore(%run_scoped3A_27 : memref<!tpu.dma_semaphore, #tpu.memory_space<semaphore_mem>>) src(%dma_wait3A_45 : memref<128x128xf32, #tpu.memory_space<vmem>>) dst(%dma_wait3A_42 : memref<128x128xf32, #tpu.memory_space<vmem_shared>>)
      tpu.yield
    }) : () -> ()
    %add3A_15 = arith.constant 384 : i32
    %add3A_16 = arith.addi %mul3A_8, %add3A_15 : i32
    "tpu.region"() ({
      %run_scoped3A_27 = tpu.sem_alloc : memref<!tpu.dma_semaphore, #tpu.memory_space<semaphore_mem>>
      %dma_start3A = arith.constant 0 : i32
      %dma_start3A_28 = arith.constant 0 : i32
      %dma_start3A_29 = tpu.memref_slice %arg9[%dma_start3A, %dma_start3A_28] : memref<128x128xf32, #tpu.memory_space<vmem>> -> memref<128x128xf32, #tpu.memory_space<vmem>>
      %dma_start3A_30 = arith.constant 0 : i32
      %dma_start3A_31 = tpu.memref_slice %arg12[%add3A_16, %dma_start3A_30] : memref<10240x128xf32, #tpu.memory_space<vmem_shared>> -> memref<128x128xf32, #tpu.memory_space<vmem_shared>>
      %dma_start3A_32 = arith.constant 0 : i32
      %dma_start3A_33 = tpu.memref_slice %arg12[%add3A_16, %dma_start3A_32] : memref<10240x128xf32, #tpu.memory_space<vmem_shared>> -> memref<128x128xf32, #tpu.memory_space<vmem_shared>>
      %dma_start3A_34 = arith.constant 0 : i32
      %dma_start3A_35 = arith.constant 0 : i32
      %dma_start3A_36 = tpu.memref_slice %arg9[%dma_start3A_34, %dma_start3A_35] : memref<128x128xf32, #tpu.memory_space<vmem>> -> memref<128x128xf32, #tpu.memory_space<vmem>>
      tpu.enqueue_dma source(%dma_start3A_36 : memref<128x128xf32, #tpu.memory_space<vmem>>) target(%dma_start3A_33 : memref<128x128xf32, #tpu.memory_space<vmem_shared>>) target_semaphore(%run_scoped3A_27 : memref<!tpu.dma_semaphore, #tpu.memory_space<semaphore_mem>>)
      %dma_wait3A = arith.constant 0 : i32
      %dma_wait3A_37 = arith.constant 0 : i32
      %dma_wait3A_38 = tpu.memref_slice %arg9[%dma_wait3A, %dma_wait3A_37] : memref<128x128xf32, #tpu.memory_space<vmem>> -> memref<128x128xf32, #tpu.memory_space<vmem>>
      %dma_wait3A_39 = arith.constant 0 : i32
      %dma_wait3A_40 = tpu.memref_slice %arg12[%add3A_16, %dma_wait3A_39] : memref<10240x128xf32, #tpu.memory_space<vmem_shared>> -> memref<128x128xf32, #tpu.memory_space<vmem_shared>>
      %dma_wait3A_41 = arith.constant 0 : i32
      %dma_wait3A_42 = tpu.memref_slice %arg12[%add3A_16, %dma_wait3A_41] : memref<10240x128xf32, #tpu.memory_space<vmem_shared>> -> memref<128x128xf32, #tpu.memory_space<vmem_shared>>
      %dma_wait3A_43 = arith.constant 0 : i32
      %dma_wait3A_44 = arith.constant 0 : i32
      %dma_wait3A_45 = tpu.memref_slice %arg9[%dma_wait3A_43, %dma_wait3A_44] : memref<128x128xf32, #tpu.memory_space<vmem>> -> memref<128x128xf32, #tpu.memory_space<vmem>>
      tpu.wait_dma2 semaphore(%run_scoped3A_27 : memref<!tpu.dma_semaphore, #tpu.memory_space<semaphore_mem>>) src(%dma_wait3A_45 : memref<128x128xf32, #tpu.memory_space<vmem>>) dst(%dma_wait3A_42 : memref<128x128xf32, #tpu.memory_space<vmem_shared>>)
      tpu.yield
    }) : () -> ()
    %add3A_17 = arith.constant 512 : i32
    %add3A_18 = arith.addi %mul3A_8, %add3A_17 : i32
    "tpu.region"() ({
      %run_scoped3A_27 = tpu.sem_alloc : memref<!tpu.dma_semaphore, #tpu.memory_space<semaphore_mem>>
      %dma_start3A = arith.constant 0 : i32
      %dma_start3A_28 = arith.constant 0 : i32
      %dma_start3A_29 = tpu.memref_slice %arg9[%dma_start3A, %dma_start3A_28] : memref<128x128xf32, #tpu.memory_space<vmem>> -> memref<128x128xf32, #tpu.memory_space<vmem>>
      %dma_start3A_30 = arith.constant 0 : i32
      %dma_start3A_31 = tpu.memref_slice %arg12[%add3A_18, %dma_start3A_30] : memref<10240x128xf32, #tpu.memory_space<vmem_shared>> -> memref<128x128xf32, #tpu.memory_space<vmem_shared>>
      %dma_start3A_32 = arith.constant 0 : i32
      %dma_start3A_33 = tpu.memref_slice %arg12[%add3A_18, %dma_start3A_32] : memref<10240x128xf32, #tpu.memory_space<vmem_shared>> -> memref<128x128xf32, #tpu.memory_space<vmem_shared>>
      %dma_start3A_34 = arith.constant 0 : i32
      %dma_start3A_35 = arith.constant 0 : i32
      %dma_start3A_36 = tpu.memref_slice %arg9[%dma_start3A_34, %dma_start3A_35] : memref<128x128xf32, #tpu.memory_space<vmem>> -> memref<128x128xf32, #tpu.memory_space<vmem>>
      tpu.enqueue_dma source(%dma_start3A_36 : memref<128x128xf32, #tpu.memory_space<vmem>>) target(%dma_start3A_33 : memref<128x128xf32, #tpu.memory_space<vmem_shared>>) target_semaphore(%run_scoped3A_27 : memref<!tpu.dma_semaphore, #tpu.memory_space<semaphore_mem>>)
      %dma_wait3A = arith.constant 0 : i32
      %dma_wait3A_37 = arith.constant 0 : i32
      %dma_wait3A_38 = tpu.memref_slice %arg9[%dma_wait3A, %dma_wait3A_37] : memref<128x128xf32, #tpu.memory_space<vmem>> -> memref<128x128xf32, #tpu.memory_space<vmem>>
      %dma_wait3A_39 = arith.constant 0 : i32
      %dma_wait3A_40 = tpu.memref_slice %arg12[%add3A_18, %dma_wait3A_39] : memref<10240x128xf32, #tpu.memory_space<vmem_shared>> -> memref<128x128xf32, #tpu.memory_space<vmem_shared>>
      %dma_wait3A_41 = arith.constant 0 : i32
      %dma_wait3A_42 = tpu.memref_slice %arg12[%add3A_18, %dma_wait3A_41] : memref<10240x128xf32, #tpu.memory_space<vmem_shared>> -> memref<128x128xf32, #tpu.memory_space<vmem_shared>>
      %dma_wait3A_43 = arith.constant 0 : i32
      %dma_wait3A_44 = arith.constant 0 : i32
      %dma_wait3A_45 = tpu.memref_slice %arg9[%dma_wait3A_43, %dma_wait3A_44] : memref<128x128xf32, #tpu.memory_space<vmem>> -> memref<128x128xf32, #tpu.memory_space<vmem>>
      tpu.wait_dma2 semaphore(%run_scoped3A_27 : memref<!tpu.dma_semaphore, #tpu.memory_space<semaphore_mem>>) src(%dma_wait3A_45 : memref<128x128xf32, #tpu.memory_space<vmem>>) dst(%dma_wait3A_42 : memref<128x128xf32, #tpu.memory_space<vmem_shared>>)
      tpu.yield
    }) : () -> ()
    %barrier3A = arith.constant 0 : index
    tpu.barrier barrier_id(%barrier3A)
    %scan3A_19 = arith.constant 0 : i32
    %scan3A_20 = arith.constant 0 : i32
    %scan3A_21 = arith.constant 81 : i32
    %scan3A_22 = arith.addi %scan3A_20, %scan3A_21 : i32
    %scan3A_23 = arith.constant 1 : i32
    %scan3A_24 = scf.for %scan3A_27 = %scan3A_20 to %scan3A_22 step %scan3A_23 iter_args(%scan3A_28 = %scan3A_19) -> (i32)  : i32 {
      "tpu.region"() ({
        %run_scoped3A_204 = tpu.sem_alloc : memref<!tpu.dma_semaphore, #tpu.memory_space<semaphore_mem>>
        %dma_start3A_205 = arith.constant 0 : i32
        %dma_start3A_206 = arith.constant 0 : i32
        %dma_start3A_207 = tpu.memref_slice %arg2[%add3A, %scan3A_27, %dma_start3A_205, %dma_start3A_206] : memref<32x81x2x128xi32, #tpu.memory_space<hbm>> -> memref<1x1x2x128xi32, #tpu.memory_space<hbm>>
        %dma_start3A_208 = tpu.memref_squeeze %dma_start3A_207 : memref<1x1x2x128xi32, #tpu.memory_space<hbm>> -> memref<2x128xi32, #tpu.memory_space<hbm>>
        %dma_start3A_209 = arith.constant 0 : i32
        %dma_start3A_210 = arith.constant 0 : i32
        %dma_start3A_211 = tpu.memref_slice %arg2[%add3A, %scan3A_27, %dma_start3A_209, %dma_start3A_210] : memref<32x81x2x128xi32, #tpu.memory_space<hbm>> -> memref<1x1x2x128xi32, #tpu.memory_space<hbm>>
        %dma_start3A_212 = tpu.memref_squeeze %dma_start3A_211 : memref<1x1x2x128xi32, #tpu.memory_space<hbm>> -> memref<2x128xi32, #tpu.memory_space<hbm>>
        tpu.enqueue_dma source(%dma_start3A_212 : memref<2x128xi32, #tpu.memory_space<hbm>>) target(%arg7 : memref<2x128xi32, #tpu.memory_space<vmem>>) target_semaphore(%run_scoped3A_204 : memref<!tpu.dma_semaphore, #tpu.memory_space<semaphore_mem>>)
        %dma_wait3A_213 = arith.constant 0 : i32
        %dma_wait3A_214 = arith.constant 0 : i32
        %dma_wait3A_215 = tpu.memref_slice %arg2[%add3A, %scan3A_27, %dma_wait3A_213, %dma_wait3A_214] : memref<32x81x2x128xi32, #tpu.memory_space<hbm>> -> memref<1x1x2x128xi32, #tpu.memory_space<hbm>>
        %dma_wait3A_216 = tpu.memref_squeeze %dma_wait3A_215 : memref<1x1x2x128xi32, #tpu.memory_space<hbm>> -> memref<2x128xi32, #tpu.memory_space<hbm>>
        %dma_wait3A_217 = arith.constant 0 : i32
        %dma_wait3A_218 = arith.constant 0 : i32
        %dma_wait3A_219 = tpu.memref_slice %arg2[%add3A, %scan3A_27, %dma_wait3A_217, %dma_wait3A_218] : memref<32x81x2x128xi32, #tpu.memory_space<hbm>> -> memref<1x1x2x128xi32, #tpu.memory_space<hbm>>
        %dma_wait3A_220 = tpu.memref_squeeze %dma_wait3A_219 : memref<1x1x2x128xi32, #tpu.memory_space<hbm>> -> memref<2x128xi32, #tpu.memory_space<hbm>>
        tpu.wait_dma2 semaphore(%run_scoped3A_204 : memref<!tpu.dma_semaphore, #tpu.memory_space<semaphore_mem>>) src(%dma_wait3A_220 : memref<2x128xi32, #tpu.memory_space<hbm>>) dst(%arg7 : memref<2x128xi32, #tpu.memory_space<vmem>>)
        tpu.yield
      }) : () -> ()
      "tpu.region"() ({
        %run_scoped3A_204 = tpu.sem_alloc : memref<!tpu.dma_semaphore, #tpu.memory_space<semaphore_mem>>
        %dma_start3A_205 = arith.constant 0 : i32
        %dma_start3A_206 = arith.constant 0 : i32
        %dma_start3A_207 = tpu.memref_slice %arg3[%add3A, %scan3A_27, %dma_start3A_205, %dma_start3A_206] : memref<32x81x1x128xf32, #tpu.memory_space<hbm>> -> memref<1x1x1x128xf32, #tpu.memory_space<hbm>>
        %dma_start3A_208 = tpu.memref_squeeze %dma_start3A_207 : memref<1x1x1x128xf32, #tpu.memory_space<hbm>> -> memref<1x128xf32, #tpu.memory_space<hbm>>
        %dma_start3A_209 = arith.constant 0 : i32
        %dma_start3A_210 = arith.constant 0 : i32
        %dma_start3A_211 = tpu.memref_slice %arg3[%add3A, %scan3A_27, %dma_start3A_209, %dma_start3A_210] : memref<32x81x1x128xf32, #tpu.memory_space<hbm>> -> memref<1x1x1x128xf32, #tpu.memory_space<hbm>>
        %dma_start3A_212 = tpu.memref_squeeze %dma_start3A_211 : memref<1x1x1x128xf32, #tpu.memory_space<hbm>> -> memref<1x128xf32, #tpu.memory_space<hbm>>
        tpu.enqueue_dma source(%dma_start3A_212 : memref<1x128xf32, #tpu.memory_space<hbm>>) target(%arg8 : memref<1x128xf32, #tpu.memory_space<vmem>>) target_semaphore(%run_scoped3A_204 : memref<!tpu.dma_semaphore, #tpu.memory_space<semaphore_mem>>)
        %dma_wait3A_213 = arith.constant 0 : i32
        %dma_wait3A_214 = arith.constant 0 : i32
        %dma_wait3A_215 = tpu.memref_slice %arg3[%add3A, %scan3A_27, %dma_wait3A_213, %dma_wait3A_214] : memref<32x81x1x128xf32, #tpu.memory_space<hbm>> -> memref<1x1x1x128xf32, #tpu.memory_space<hbm>>
        %dma_wait3A_216 = tpu.memref_squeeze %dma_wait3A_215 : memref<1x1x1x128xf32, #tpu.memory_space<hbm>> -> memref<1x128xf32, #tpu.memory_space<hbm>>
        %dma_wait3A_217 = arith.constant 0 : i32
        %dma_wait3A_218 = arith.constant 0 : i32
        %dma_wait3A_219 = tpu.memref_slice %arg3[%add3A, %scan3A_27, %dma_wait3A_217, %dma_wait3A_218] : memref<32x81x1x128xf32, #tpu.memory_space<hbm>> -> memref<1x1x1x128xf32, #tpu.memory_space<hbm>>
        %dma_wait3A_220 = tpu.memref_squeeze %dma_wait3A_219 : memref<1x1x1x128xf32, #tpu.memory_space<hbm>> -> memref<1x128xf32, #tpu.memory_space<hbm>>
        tpu.wait_dma2 semaphore(%run_scoped3A_204 : memref<!tpu.dma_semaphore, #tpu.memory_space<semaphore_mem>>) src(%dma_wait3A_220 : memref<1x128xf32, #tpu.memory_space<hbm>>) dst(%arg8 : memref<1x128xf32, #tpu.memory_space<vmem>>)
        tpu.yield
      }) : () -> ()
      %dma_start3A = arith.constant 0 : i32
      %dma_start3A_29 = arith.constant 0 : i32
      %dma_start3A_30 = tpu.memref_slice %arg7[%dma_start3A, %dma_start3A_29] : memref<2x128xi32, #tpu.memory_space<vmem>> -> memref<1x128xi32, #tpu.memory_space<vmem>>
      %dma_start3A_31 = tpu.memref_squeeze %dma_start3A_30 : memref<1x128xi32, #tpu.memory_space<vmem>> -> memref<128xi32, #tpu.memory_space<vmem>>
      %dma_start3A_32 = arith.constant 0 : i32
      %dma_start3A_33 = arith.constant 0 : i32
      %dma_start3A_34 = tpu.memref_slice %arg5[%dma_start3A_32, %dma_start3A_33] : memref<10240x128xf32, #tpu.memory_space<hbm>> -> memref<10240x128xf32, #tpu.memory_space<hbm>>
      tpu.enqueue_indirect_dma source(%dma_start3A_34 : memref<10240x128xf32, #tpu.memory_space<hbm>>) target(%arg9 : memref<128x128xf32, #tpu.memory_space<vmem>>) offsets(%dma_start3A_31 : memref<128xi32, #tpu.memory_space<vmem>>) semaphore(%arg13 : memref<!tpu.dma_semaphore, #tpu.memory_space<semaphore_mem>>)
      %get3A = arith.constant 0 : i32
      %get3A_35 = arith.index_cast %get3A : i32 to index
      %get3A_36 = arith.constant 0 : index
      %get3A_37 = tpu.vector_load %arg7[%get3A_35, %get3A_36] {strides = array<i32>} : memref<2x128xi32, #tpu.memory_space<vmem>>, vector<16xi32>,
      %get3A_38 = arith.constant 1 : i32
      %get3A_39 = arith.index_cast %get3A_38 : i32 to index
      %get3A_40 = arith.constant 0 : index
      %get3A_41 = tpu.vector_load %arg7[%get3A_39, %get3A_40] {strides = array<i32>} : memref<2x128xi32, #tpu.memory_space<vmem>>, vector<16xi32>,
      %get3A_42 = arith.constant 0 : i32
      %get3A_43 = arith.index_cast %get3A_42 : i32 to index
      %get3A_44 = arith.constant 0 : index
      %get3A_45 = tpu.vector_load %arg8[%get3A_43, %get3A_44] {strides = array<i32>} : memref<1x128xf32, #tpu.memory_space<vmem>>, vector<16xf32>,
      %gather3A = tpu.vector_load_idx %arg11[%get3A_37] : memref<10240xf32, #tpu.memory_space<vmem>>[vector<16xi32>], vector<16xf32>,
      %mul3A_46 = arith.mulf %gather3A, %get3A_45 : vector<16xf32>
      %gather3A_47 = tpu.vector_load_idx %arg11[%get3A_41] : memref<10240xf32, #tpu.memory_space<vmem>>[vector<16xi32>], vector<16xf32>,
      %mul3A_48 = arith.mulf %mul3A_46, %gather3A_47 : vector<16xf32>
      %swap3A = arith.constant 0 : index
      %swap3A_49 = tpu.vector_load %arg10[%swap3A] {strides = array<i32>} : memref<144xf32, #tpu.memory_space<vmem>>, vector<16xf32>,
      tpu.vector_store %arg10[%swap3A], %mul3A_48 {strides = array<i32>} : memref<144xf32, #tpu.memory_space<vmem>>, vector<16xf32>,
      %get3A_50 = arith.constant 0 : i32
      %get3A_51 = arith.index_cast %get3A_50 : i32 to index
      %get3A_52 = arith.constant 16 : index
      %get3A_53 = tpu.vector_load %arg7[%get3A_51, %get3A_52] {strides = array<i32>} : memref<2x128xi32, #tpu.memory_space<vmem>>, vector<16xi32>,
      %get3A_54 = arith.constant 1 : i32
      %get3A_55 = arith.index_cast %get3A_54 : i32 to index
      %get3A_56 = arith.constant 16 : index
      %get3A_57 = tpu.vector_load %arg7[%get3A_55, %get3A_56] {strides = array<i32>} : memref<2x128xi32, #tpu.memory_space<vmem>>, vector<16xi32>,
      %get3A_58 = arith.constant 0 : i32
      %get3A_59 = arith.index_cast %get3A_58 : i32 to index
      %get3A_60 = arith.constant 16 : index
      %get3A_61 = tpu.vector_load %arg8[%get3A_59, %get3A_60] {strides = array<i32>} : memref<1x128xf32, #tpu.memory_space<vmem>>, vector<16xf32>,
      %gather3A_62 = tpu.vector_load_idx %arg11[%get3A_53] : memref<10240xf32, #tpu.memory_space<vmem>>[vector<16xi32>], vector<16xf32>,
      %mul3A_63 = arith.mulf %gather3A_62, %get3A_61 : vector<16xf32>
      %gather3A_64 = tpu.vector_load_idx %arg11[%get3A_57] : memref<10240xf32, #tpu.memory_space<vmem>>[vector<16xi32>], vector<16xf32>,
      %mul3A_65 = arith.mulf %mul3A_63, %gather3A_64 : vector<16xf32>
      %swap3A_66 = arith.constant 16 : index
      %swap3A_67 = tpu.vector_load %arg10[%swap3A_66] {strides = array<i32>} : memref<144xf32, #tpu.memory_space<vmem>>, vector<16xf32>,
      tpu.vector_store %arg10[%swap3A_66], %mul3A_65 {strides = array<i32>} : memref<144xf32, #tpu.memory_space<vmem>>, vector<16xf32>,
      %get3A_68 = arith.constant 0 : i32
      %get3A_69 = arith.index_cast %get3A_68 : i32 to index
      %get3A_70 = arith.constant 32 : index
      %get3A_71 = tpu.vector_load %arg7[%get3A_69, %get3A_70] {strides = array<i32>} : memref<2x128xi32, #tpu.memory_space<vmem>>, vector<16xi32>,
      %get3A_72 = arith.constant 1 : i32
      %get3A_73 = arith.index_cast %get3A_72 : i32 to index
      %get3A_74 = arith.constant 32 : index
      %get3A_75 = tpu.vector_load %arg7[%get3A_73, %get3A_74] {strides = array<i32>} : memref<2x128xi32, #tpu.memory_space<vmem>>, vector<16xi32>,
      %get3A_76 = arith.constant 0 : i32
      %get3A_77 = arith.index_cast %get3A_76 : i32 to index
      %get3A_78 = arith.constant 32 : index
      %get3A_79 = tpu.vector_load %arg8[%get3A_77, %get3A_78] {strides = array<i32>} : memref<1x128xf32, #tpu.memory_space<vmem>>, vector<16xf32>,
      %gather3A_80 = tpu.vector_load_idx %arg11[%get3A_71] : memref<10240xf32, #tpu.memory_space<vmem>>[vector<16xi32>], vector<16xf32>,
      %mul3A_81 = arith.mulf %gather3A_80, %get3A_79 : vector<16xf32>
      %gather3A_82 = tpu.vector_load_idx %arg11[%get3A_75] : memref<10240xf32, #tpu.memory_space<vmem>>[vector<16xi32>], vector<16xf32>,
      %mul3A_83 = arith.mulf %mul3A_81, %gather3A_82 : vector<16xf32>
      %swap3A_84 = arith.constant 32 : index
      %swap3A_85 = tpu.vector_load %arg10[%swap3A_84] {strides = array<i32>} : memref<144xf32, #tpu.memory_space<vmem>>, vector<16xf32>,
      tpu.vector_store %arg10[%swap3A_84], %mul3A_83 {strides = array<i32>} : memref<144xf32, #tpu.memory_space<vmem>>, vector<16xf32>,
      %get3A_86 = arith.constant 0 : i32
      %get3A_87 = arith.index_cast %get3A_86 : i32 to index
      %get3A_88 = arith.constant 48 : index
      %get3A_89 = tpu.vector_load %arg7[%get3A_87, %get3A_88] {strides = array<i32>} : memref<2x128xi32, #tpu.memory_space<vmem>>, vector<16xi32>,
      %get3A_90 = arith.constant 1 : i32
      %get3A_91 = arith.index_cast %get3A_90 : i32 to index
      %get3A_92 = arith.constant 48 : index
      %get3A_93 = tpu.vector_load %arg7[%get3A_91, %get3A_92] {strides = array<i32>} : memref<2x128xi32, #tpu.memory_space<vmem>>, vector<16xi32>,
      %get3A_94 = arith.constant 0 : i32
      %get3A_95 = arith.index_cast %get3A_94 : i32 to index
      %get3A_96 = arith.constant 48 : index
      %get3A_97 = tpu.vector_load %arg8[%get3A_95, %get3A_96] {strides = array<i32>} : memref<1x128xf32, #tpu.memory_space<vmem>>, vector<16xf32>,
      %gather3A_98 = tpu.vector_load_idx %arg11[%get3A_89] : memref<10240xf32, #tpu.memory_space<vmem>>[vector<16xi32>], vector<16xf32>,
      %mul3A_99 = arith.mulf %gather3A_98, %get3A_97 : vector<16xf32>
      %gather3A_100 = tpu.vector_load_idx %arg11[%get3A_93] : memref<10240xf32, #tpu.memory_space<vmem>>[vector<16xi32>], vector<16xf32>,
      %mul3A_101 = arith.mulf %mul3A_99, %gather3A_100 : vector<16xf32>
      %swap3A_102 = arith.constant 48 : index
      %swap3A_103 = tpu.vector_load %arg10[%swap3A_102] {strides = array<i32>} : memref<144xf32, #tpu.memory_space<vmem>>, vector<16xf32>,
      tpu.vector_store %arg10[%swap3A_102], %mul3A_101 {strides = array<i32>} : memref<144xf32, #tpu.memory_space<vmem>>, vector<16xf32>,
      %get3A_104 = arith.constant 0 : i32
      %get3A_105 = arith.index_cast %get3A_104 : i32 to index
      %get3A_106 = arith.constant 64 : index
      %get3A_107 = tpu.vector_load %arg7[%get3A_105, %get3A_106] {strides = array<i32>} : memref<2x128xi32, #tpu.memory_space<vmem>>, vector<16xi32>,
      %get3A_108 = arith.constant 1 : i32
      %get3A_109 = arith.index_cast %get3A_108 : i32 to index
      %get3A_110 = arith.constant 64 : index
      %get3A_111 = tpu.vector_load %arg7[%get3A_109, %get3A_110] {strides = array<i32>} : memref<2x128xi32, #tpu.memory_space<vmem>>, vector<16xi32>,
      %get3A_112 = arith.constant 0 : i32
      %get3A_113 = arith.index_cast %get3A_112 : i32 to index
      %get3A_114 = arith.constant 64 : index
      %get3A_115 = tpu.vector_load %arg8[%get3A_113, %get3A_114] {strides = array<i32>} : memref<1x128xf32, #tpu.memory_space<vmem>>, vector<16xf32>,
      %gather3A_116 = tpu.vector_load_idx %arg11[%get3A_107] : memref<10240xf32, #tpu.memory_space<vmem>>[vector<16xi32>], vector<16xf32>,
      %mul3A_117 = arith.mulf %gather3A_116, %get3A_115 : vector<16xf32>
      %gather3A_118 = tpu.vector_load_idx %arg11[%get3A_111] : memref<10240xf32, #tpu.memory_space<vmem>>[vector<16xi32>], vector<16xf32>,
      %mul3A_119 = arith.mulf %mul3A_117, %gather3A_118 : vector<16xf32>
      %swap3A_120 = arith.constant 64 : index
      %swap3A_121 = tpu.vector_load %arg10[%swap3A_120] {strides = array<i32>} : memref<144xf32, #tpu.memory_space<vmem>>, vector<16xf32>,
      tpu.vector_store %arg10[%swap3A_120], %mul3A_119 {strides = array<i32>} : memref<144xf32, #tpu.memory_space<vmem>>, vector<16xf32>,
      %get3A_122 = arith.constant 0 : i32
      %get3A_123 = arith.index_cast %get3A_122 : i32 to index
      %get3A_124 = arith.constant 80 : index
      %get3A_125 = tpu.vector_load %arg7[%get3A_123, %get3A_124] {strides = array<i32>} : memref<2x128xi32, #tpu.memory_space<vmem>>, vector<16xi32>,
      %get3A_126 = arith.constant 1 : i32
      %get3A_127 = arith.index_cast %get3A_126 : i32 to index
      %get3A_128 = arith.constant 80 : index
      %get3A_129 = tpu.vector_load %arg7[%get3A_127, %get3A_128] {strides = array<i32>} : memref<2x128xi32, #tpu.memory_space<vmem>>, vector<16xi32>,
      %get3A_130 = arith.constant 0 : i32
      %get3A_131 = arith.index_cast %get3A_130 : i32 to index
      %get3A_132 = arith.constant 80 : index
      %get3A_133 = tpu.vector_load %arg8[%get3A_131, %get3A_132] {strides = array<i32>} : memref<1x128xf32, #tpu.memory_space<vmem>>, vector<16xf32>,
      %gather3A_134 = tpu.vector_load_idx %arg11[%get3A_125] : memref<10240xf32, #tpu.memory_space<vmem>>[vector<16xi32>], vector<16xf32>,
      %mul3A_135 = arith.mulf %gather3A_134, %get3A_133 : vector<16xf32>
      %gather3A_136 = tpu.vector_load_idx %arg11[%get3A_129] : memref<10240xf32, #tpu.memory_space<vmem>>[vector<16xi32>], vector<16xf32>,
      %mul3A_137 = arith.mulf %mul3A_135, %gather3A_136 : vector<16xf32>
      %swap3A_138 = arith.constant 80 : index
      %swap3A_139 = tpu.vector_load %arg10[%swap3A_138] {strides = array<i32>} : memref<144xf32, #tpu.memory_space<vmem>>, vector<16xf32>,
      tpu.vector_store %arg10[%swap3A_138], %mul3A_137 {strides = array<i32>} : memref<144xf32, #tpu.memory_space<vmem>>, vector<16xf32>,
      %get3A_140 = arith.constant 0 : i32
      %get3A_141 = arith.index_cast %get3A_140 : i32 to index
      %get3A_142 = arith.constant 96 : index
      %get3A_143 = tpu.vector_load %arg7[%get3A_141, %get3A_142] {strides = array<i32>} : memref<2x128xi32, #tpu.memory_space<vmem>>, vector<16xi32>,
      %get3A_144 = arith.constant 1 : i32
      %get3A_145 = arith.index_cast %get3A_144 : i32 to index
      %get3A_146 = arith.constant 96 : index
      %get3A_147 = tpu.vector_load %arg7[%get3A_145, %get3A_146] {strides = array<i32>} : memref<2x128xi32, #tpu.memory_space<vmem>>, vector<16xi32>,
      %get3A_148 = arith.constant 0 : i32
      %get3A_149 = arith.index_cast %get3A_148 : i32 to index
      %get3A_150 = arith.constant 96 : index
      %get3A_151 = tpu.vector_load %arg8[%get3A_149, %get3A_150] {strides = array<i32>} : memref<1x128xf32, #tpu.memory_space<vmem>>, vector<16xf32>,
      %gather3A_152 = tpu.vector_load_idx %arg11[%get3A_143] : memref<10240xf32, #tpu.memory_space<vmem>>[vector<16xi32>], vector<16xf32>,
      %mul3A_153 = arith.mulf %gather3A_152, %get3A_151 : vector<16xf32>
      %gather3A_154 = tpu.vector_load_idx %arg11[%get3A_147] : memref<10240xf32, #tpu.memory_space<vmem>>[vector<16xi32>], vector<16xf32>,
      %mul3A_155 = arith.mulf %mul3A_153, %gather3A_154 : vector<16xf32>
      %swap3A_156 = arith.constant 96 : index
      %swap3A_157 = tpu.vector_load %arg10[%swap3A_156] {strides = array<i32>} : memref<144xf32, #tpu.memory_space<vmem>>, vector<16xf32>,
      tpu.vector_store %arg10[%swap3A_156], %mul3A_155 {strides = array<i32>} : memref<144xf32, #tpu.memory_space<vmem>>, vector<16xf32>,
      %get3A_158 = arith.constant 0 : i32
      %get3A_159 = arith.index_cast %get3A_158 : i32 to index
      %get3A_160 = arith.constant 112 : index
      %get3A_161 = tpu.vector_load %arg7[%get3A_159, %get3A_160] {strides = array<i32>} : memref<2x128xi32, #tpu.memory_space<vmem>>, vector<16xi32>,
      %get3A_162 = arith.constant 1 : i32
      %get3A_163 = arith.index_cast %get3A_162 : i32 to index
      %get3A_164 = arith.constant 112 : index
      %get3A_165 = tpu.vector_load %arg7[%get3A_163, %get3A_164] {strides = array<i32>} : memref<2x128xi32, #tpu.memory_space<vmem>>, vector<16xi32>,
      %get3A_166 = arith.constant 0 : i32
      %get3A_167 = arith.index_cast %get3A_166 : i32 to index
      %get3A_168 = arith.constant 112 : index
      %get3A_169 = tpu.vector_load %arg8[%get3A_167, %get3A_168] {strides = array<i32>} : memref<1x128xf32, #tpu.memory_space<vmem>>, vector<16xf32>,
      %gather3A_170 = tpu.vector_load_idx %arg11[%get3A_161] : memref<10240xf32, #tpu.memory_space<vmem>>[vector<16xi32>], vector<16xf32>,
      %mul3A_171 = arith.mulf %gather3A_170, %get3A_169 : vector<16xf32>
      %gather3A_172 = tpu.vector_load_idx %arg11[%get3A_165] : memref<10240xf32, #tpu.memory_space<vmem>>[vector<16xi32>], vector<16xf32>,
      %mul3A_173 = arith.mulf %mul3A_171, %gather3A_172 : vector<16xf32>
      %swap3A_174 = arith.constant 112 : index
      %swap3A_175 = tpu.vector_load %arg10[%swap3A_174] {strides = array<i32>} : memref<144xf32, #tpu.memory_space<vmem>>, vector<16xf32>,
      tpu.vector_store %arg10[%swap3A_174], %mul3A_173 {strides = array<i32>} : memref<144xf32, #tpu.memory_space<vmem>>, vector<16xf32>,
      %dma_wait3A = arith.constant 0 : i32
      %dma_wait3A_176 = arith.constant 0 : i32
      %dma_wait3A_177 = tpu.memref_slice %arg7[%dma_wait3A, %dma_wait3A_176] : memref<2x128xi32, #tpu.memory_space<vmem>> -> memref<1x128xi32, #tpu.memory_space<vmem>>
      %dma_wait3A_178 = tpu.memref_squeeze %dma_wait3A_177 : memref<1x128xi32, #tpu.memory_space<vmem>> -> memref<128xi32, #tpu.memory_space<vmem>>
      %dma_wait3A_179 = arith.constant 0 : i32
      %dma_wait3A_180 = arith.constant 0 : i32
      %dma_wait3A_181 = tpu.memref_slice %arg5[%dma_wait3A_179, %dma_wait3A_180] : memref<10240x128xf32, #tpu.memory_space<hbm>> -> memref<10240x128xf32, #tpu.memory_space<hbm>>
      tpu.wait_indirect_dma semaphore(%arg13 : memref<!tpu.dma_semaphore, #tpu.memory_space<semaphore_mem>>) src(%dma_wait3A_181 : memref<10240x128xf32, #tpu.memory_space<hbm>>) dst(%arg9 : memref<128x128xf32, #tpu.memory_space<vmem>>)
      %scan3A_182 = arith.constant 0 : i32
      %scan3A_183 = arith.constant 0 : i32
      %scan3A_184 = arith.constant 128 : i32
      %scan3A_185 = arith.addi %scan3A_183, %scan3A_184 : i32
      %scan3A_186 = arith.constant 1 : i32
      %scan3A_187 = scf.for %scan3A_204 = %scan3A_183 to %scan3A_185 step %scan3A_186 iter_args(%scan3A_205 = %scan3A_182) -> (i32)  : i32 {
        %get3A_206 = arith.index_cast %scan3A_204 : i32 to index
        %get3A_207 = tpu.vector_load %arg10[%get3A_206] {strides = array<i32>} : memref<144xf32, #tpu.memory_space<vmem>>, vector<16xf32>,
        %slice3A = vector.extract_strided_slice %get3A_207 {offsets = [0], sizes = [1], strides = [1]} : vector<16xf32> to vector<1xf32>
        %squeeze3A = vector.extract %slice3A[0] : f32 from vector<1xf32>
        %get3A_208 = arith.index_cast %scan3A_204 : i32 to index
        %get3A_209 = arith.constant 0 : index
        %get3A_210 = tpu.vector_load %arg9[%get3A_208, %get3A_209] {strides = array<i32>} : memref<128x128xf32, #tpu.memory_space<vmem>>, vector<16xf32>,
        %mul3A_211 = vector.broadcast %squeeze3A : f32 to vector<16xf32>
        %mul3A_212 = arith.mulf %get3A_210, %mul3A_211 : vector<16xf32>
        %swap3A_213 = arith.index_cast %scan3A_204 : i32 to index
        %swap3A_214 = arith.constant 0 : index
        %swap3A_215 = tpu.vector_load %arg9[%swap3A_213, %swap3A_214] {strides = array<i32>} : memref<128x128xf32, #tpu.memory_space<vmem>>, vector<16xf32>,
        tpu.vector_store %arg9[%swap3A_213, %swap3A_214], %mul3A_212 {strides = array<i32>} : memref<128x128xf32, #tpu.memory_space<vmem>>, vector<16xf32>,
        %get3A_216 = arith.index_cast %scan3A_204 : i32 to index
        %get3A_217 = arith.constant 16 : index
        %get3A_218 = tpu.vector_load %arg9[%get3A_216, %get3A_217] {strides = array<i32>} : memref<128x128xf32, #tpu.memory_space<vmem>>, vector<16xf32>,
        %mul3A_219 = vector.broadcast %squeeze3A : f32 to vector<16xf32>
        %mul3A_220 = arith.mulf %get3A_218, %mul3A_219 : vector<16xf32>
        %swap3A_221 = arith.index_cast %scan3A_204 : i32 to index
        %swap3A_222 = arith.constant 16 : index
        %swap3A_223 = tpu.vector_load %arg9[%swap3A_221, %swap3A_222] {strides = array<i32>} : memref<128x128xf32, #tpu.memory_space<vmem>>, vector<16xf32>,
        tpu.vector_store %arg9[%swap3A_221, %swap3A_222], %mul3A_220 {strides = array<i32>} : memref<128x128xf32, #tpu.memory_space<vmem>>, vector<16xf32>,
        %get3A_224 = arith.index_cast %scan3A_204 : i32 to index
        %get3A_225 = arith.constant 32 : index
        %get3A_226 = tpu.vector_load %arg9[%get3A_224, %get3A_225] {strides = array<i32>} : memref<128x128xf32, #tpu.memory_space<vmem>>, vector<16xf32>,
        %mul3A_227 = vector.broadcast %squeeze3A : f32 to vector<16xf32>
        %mul3A_228 = arith.mulf %get3A_226, %mul3A_227 : vector<16xf32>
        %swap3A_229 = arith.index_cast %scan3A_204 : i32 to index
        %swap3A_230 = arith.constant 32 : index
        %swap3A_231 = tpu.vector_load %arg9[%swap3A_229, %swap3A_230] {strides = array<i32>} : memref<128x128xf32, #tpu.memory_space<vmem>>, vector<16xf32>,
        tpu.vector_store %arg9[%swap3A_229, %swap3A_230], %mul3A_228 {strides = array<i32>} : memref<128x128xf32, #tpu.memory_space<vmem>>, vector<16xf32>,
        %get3A_232 = arith.index_cast %scan3A_204 : i32 to index
        %get3A_233 = arith.constant 48 : index
        %get3A_234 = tpu.vector_load %arg9[%get3A_232, %get3A_233] {strides = array<i32>} : memref<128x128xf32, #tpu.memory_space<vmem>>, vector<16xf32>,
        %mul3A_235 = vector.broadcast %squeeze3A : f32 to vector<16xf32>
        %mul3A_236 = arith.mulf %get3A_234, %mul3A_235 : vector<16xf32>
        %swap3A_237 = arith.index_cast %scan3A_204 : i32 to index
        %swap3A_238 = arith.constant 48 : index
        %swap3A_239 = tpu.vector_load %arg9[%swap3A_237, %swap3A_238] {strides = array<i32>} : memref<128x128xf32, #tpu.memory_space<vmem>>, vector<16xf32>,
        tpu.vector_store %arg9[%swap3A_237, %swap3A_238], %mul3A_236 {strides = array<i32>} : memref<128x128xf32, #tpu.memory_space<vmem>>, vector<16xf32>,
        %get3A_240 = arith.index_cast %scan3A_204 : i32 to index
        %get3A_241 = arith.constant 64 : index
        %get3A_242 = tpu.vector_load %arg9[%get3A_240, %get3A_241] {strides = array<i32>} : memref<128x128xf32, #tpu.memory_space<vmem>>, vector<16xf32>,
        %mul3A_243 = vector.broadcast %squeeze3A : f32 to vector<16xf32>
        %mul3A_244 = arith.mulf %get3A_242, %mul3A_243 : vector<16xf32>
        %swap3A_245 = arith.index_cast %scan3A_204 : i32 to index
        %swap3A_246 = arith.constant 64 : index
        %swap3A_247 = tpu.vector_load %arg9[%swap3A_245, %swap3A_246] {strides = array<i32>} : memref<128x128xf32, #tpu.memory_space<vmem>>, vector<16xf32>,
        tpu.vector_store %arg9[%swap3A_245, %swap3A_246], %mul3A_244 {strides = array<i32>} : memref<128x128xf32, #tpu.memory_space<vmem>>, vector<16xf32>,
        %get3A_248 = arith.index_cast %scan3A_204 : i32 to index
        %get3A_249 = arith.constant 80 : index
        %get3A_250 = tpu.vector_load %arg9[%get3A_248, %get3A_249] {strides = array<i32>} : memref<128x128xf32, #tpu.memory_space<vmem>>, vector<16xf32>,
        %mul3A_251 = vector.broadcast %squeeze3A : f32 to vector<16xf32>
        %mul3A_252 = arith.mulf %get3A_250, %mul3A_251 : vector<16xf32>
        %swap3A_253 = arith.index_cast %scan3A_204 : i32 to index
        %swap3A_254 = arith.constant 80 : index
        %swap3A_255 = tpu.vector_load %arg9[%swap3A_253, %swap3A_254] {strides = array<i32>} : memref<128x128xf32, #tpu.memory_space<vmem>>, vector<16xf32>,
        tpu.vector_store %arg9[%swap3A_253, %swap3A_254], %mul3A_252 {strides = array<i32>} : memref<128x128xf32, #tpu.memory_space<vmem>>, vector<16xf32>,
        %get3A_256 = arith.index_cast %scan3A_204 : i32 to index
        %get3A_257 = arith.constant 96 : index
        %get3A_258 = tpu.vector_load %arg9[%get3A_256, %get3A_257] {strides = array<i32>} : memref<128x128xf32, #tpu.memory_space<vmem>>, vector<16xf32>,
        %mul3A_259 = vector.broadcast %squeeze3A : f32 to vector<16xf32>
        %mul3A_260 = arith.mulf %get3A_258, %mul3A_259 : vector<16xf32>
        %swap3A_261 = arith.index_cast %scan3A_204 : i32 to index
        %swap3A_262 = arith.constant 96 : index
        %swap3A_263 = tpu.vector_load %arg9[%swap3A_261, %swap3A_262] {strides = array<i32>} : memref<128x128xf32, #tpu.memory_space<vmem>>, vector<16xf32>,
        tpu.vector_store %arg9[%swap3A_261, %swap3A_262], %mul3A_260 {strides = array<i32>} : memref<128x128xf32, #tpu.memory_space<vmem>>, vector<16xf32>,
        %get3A_264 = arith.index_cast %scan3A_204 : i32 to index
        %get3A_265 = arith.constant 112 : index
        %get3A_266 = tpu.vector_load %arg9[%get3A_264, %get3A_265] {strides = array<i32>} : memref<128x128xf32, #tpu.memory_space<vmem>>, vector<16xf32>,
        %mul3A_267 = vector.broadcast %squeeze3A : f32 to vector<16xf32>
        %mul3A_268 = arith.mulf %get3A_266, %mul3A_267 : vector<16xf32>
        %swap3A_269 = arith.index_cast %scan3A_204 : i32 to index
        %swap3A_270 = arith.constant 112 : index
        %swap3A_271 = tpu.vector_load %arg9[%swap3A_269, %swap3A_270] {strides = array<i32>} : memref<128x128xf32, #tpu.memory_space<vmem>>, vector<16xf32>,
        tpu.vector_store %arg9[%swap3A_269, %swap3A_270], %mul3A_268 {strides = array<i32>} : memref<128x128xf32, #tpu.memory_space<vmem>>, vector<16xf32>,
        %scan3A_272 = arith.constant 0 : i32
        scf.yield %scan3A_272 : i32
      }
      %scan3A_188 = arith.constant 128 : i32
      %dma_start3A_189 = arith.constant 1 : i32
      %dma_start3A_190 = arith.constant 0 : i32
      %dma_start3A_191 = tpu.memref_slice %arg7[%dma_start3A_189, %dma_start3A_190] : memref<2x128xi32, #tpu.memory_space<vmem>> -> memref<1x128xi32, #tpu.memory_space<vmem>>
      %dma_start3A_192 = tpu.memref_squeeze %dma_start3A_191 : memref<1x128xi32, #tpu.memory_space<vmem>> -> memref<128xi32, #tpu.memory_space<vmem>>
      %dma_start3A_193 = arith.constant 0 : i32
      %dma_start3A_194 = arith.constant 0 : i32
      %dma_start3A_195 = tpu.memref_slice %arg12[%dma_start3A_193, %dma_start3A_194] : memref<10240x128xf32, #tpu.memory_space<vmem_shared>> -> memref<10240x128xf32, #tpu.memory_space<vmem_shared>>
      tpu.enqueue_indirect_dma source(%arg9 : memref<128x128xf32, #tpu.memory_space<vmem>>) target(%dma_start3A_195 : memref<10240x128xf32, #tpu.memory_space<vmem_shared>>) offsets(%dma_start3A_192 : memref<128xi32, #tpu.memory_space<vmem>>) semaphore(%arg14 : memref<!tpu.dma_semaphore, #tpu.memory_space<semaphore_mem>>) {add = true}
      %dma_wait3A_196 = arith.constant 1 : i32
      %dma_wait3A_197 = arith.constant 0 : i32
      %dma_wait3A_198 = tpu.memref_slice %arg7[%dma_wait3A_196, %dma_wait3A_197] : memref<2x128xi32, #tpu.memory_space<vmem>> -> memref<1x128xi32, #tpu.memory_space<vmem>>
      %dma_wait3A_199 = tpu.memref_squeeze %dma_wait3A_198 : memref<1x128xi32, #tpu.memory_space<vmem>> -> memref<128xi32, #tpu.memory_space<vmem>>
      %dma_wait3A_200 = arith.constant 0 : i32
      %dma_wait3A_201 = arith.constant 0 : i32
      %dma_wait3A_202 = tpu.memref_slice %arg12[%dma_wait3A_200, %dma_wait3A_201] : memref<10240x128xf32, #tpu.memory_space<vmem_shared>> -> memref<10240x128xf32, #tpu.memory_space<vmem_shared>>
      tpu.wait_indirect_dma semaphore(%arg14 : memref<!tpu.dma_semaphore, #tpu.memory_space<semaphore_mem>>) src(%arg9 : memref<128x128xf32, #tpu.memory_space<vmem>>) dst(%dma_wait3A_202 : memref<10240x128xf32, #tpu.memory_space<vmem_shared>>)
      %scan3A_203 = arith.constant 0 : i32
      scf.yield %scan3A_203 : i32
    }
    %scan3A_25 = arith.constant 81 : i32
    %barrier3A_26 = arith.constant 0 : index
    tpu.barrier barrier_id(%barrier3A_26)
    "tpu.region"() ({
      %run_scoped3A_27 = tpu.sem_alloc : memref<!tpu.dma_semaphore, #tpu.memory_space<semaphore_mem>>
      %dma_start3A = arith.constant 0 : i32
      %dma_start3A_28 = tpu.memref_slice %arg6[%arg0, %mul3A_8, %dma_start3A] : memref<2x10240x128xf32, #tpu.memory_space<hbm>> -> memref<1x640x128xf32, #tpu.memory_space<hbm>>
      %dma_start3A_29 = tpu.memref_squeeze %dma_start3A_28 : memref<1x640x128xf32, #tpu.memory_space<hbm>> -> memref<640x128xf32, #tpu.memory_space<hbm>>
      %dma_start3A_30 = arith.constant 0 : i32
      %dma_start3A_31 = tpu.memref_slice %arg12[%mul3A_8, %dma_start3A_30] : memref<10240x128xf32, #tpu.memory_space<vmem_shared>> -> memref<640x128xf32, #tpu.memory_space<vmem_shared>>
      tpu.enqueue_dma source(%dma_start3A_31 : memref<640x128xf32, #tpu.memory_space<vmem_shared>>) target(%dma_start3A_29 : memref<640x128xf32, #tpu.memory_space<hbm>>) target_semaphore(%run_scoped3A_27 : memref<!tpu.dma_semaphore, #tpu.memory_space<semaphore_mem>>)
      %dma_wait3A = arith.constant 0 : i32
      %dma_wait3A_32 = tpu.memref_slice %arg6[%arg0, %mul3A_8, %dma_wait3A] : memref<2x10240x128xf32, #tpu.memory_space<hbm>> -> memref<1x640x128xf32, #tpu.memory_space<hbm>>
      %dma_wait3A_33 = tpu.memref_squeeze %dma_wait3A_32 : memref<1x640x128xf32, #tpu.memory_space<hbm>> -> memref<640x128xf32, #tpu.memory_space<hbm>>
      %dma_wait3A_34 = arith.constant 0 : i32
      %dma_wait3A_35 = tpu.memref_slice %arg12[%mul3A_8, %dma_wait3A_34] : memref<10240x128xf32, #tpu.memory_space<vmem_shared>> -> memref<640x128xf32, #tpu.memory_space<vmem_shared>>
      tpu.wait_dma2 semaphore(%run_scoped3A_27 : memref<!tpu.dma_semaphore, #tpu.memory_space<semaphore_mem>>) src(%dma_wait3A_35 : memref<640x128xf32, #tpu.memory_space<vmem_shared>>) dst(%dma_wait3A_33 : memref<640x128xf32, #tpu.memory_space<hbm>>)
      tpu.yield
    }) : () -> ()
    return
  }
}

#map = affine_map<(d0, d1) -> (0, 0)>
module attributes {stable_mosaic.version = 14 : i64} {
  func.func @_deg_body(%arg0: i32, %arg1: i32, %arg2: memref<32x10000xi32, #tpu.memory_space<hbm>>, %arg3: memref<32x10000xf32, #tpu.memory_space<hbm>>, %arg4: memref<32x10240xf32, #tpu.memory_space<hbm>>, %arg5: memref<10000xi32, #tpu.memory_space<vmem>>, %arg6: memref<10000xf32, #tpu.memory_space<vmem>>, %arg7: memref<10240xf32, #tpu.memory_space<vmem>>) attributes {dimension_semantics = [#tpu.dimension_semantics<core_parallel>, #tpu.dimension_semantics<subcore_parallel>], iteration_bounds = array<i64: 2, 16>, scalar_prefetch = 0 : i64, scratch_operands = 3 : i64, tpu.core_type = #tpu.core_type<sc_vector_subcore>, window_params = [{transform_indices = #map}, {transform_indices = #map}, {transform_indices = #map}]} {
    %mul3A = arith.constant 2 : i32
    %mul3A_0 = arith.muli %arg1, %mul3A : i32
    %add3A = arith.addi %mul3A_0, %arg0 : i32
    "tpu.region"() ({
      %run_scoped3A = tpu.sem_alloc : memref<!tpu.dma_semaphore, #tpu.memory_space<semaphore_mem>>
      %dma_start3A = arith.constant 0 : i32
      %dma_start3A_14 = tpu.memref_slice %arg2[%add3A, %dma_start3A] : memref<32x10000xi32, #tpu.memory_space<hbm>> -> memref<1x10000xi32, #tpu.memory_space<hbm>>
      %dma_start3A_15 = tpu.memref_squeeze %dma_start3A_14 : memref<1x10000xi32, #tpu.memory_space<hbm>> -> memref<10000xi32, #tpu.memory_space<hbm>>
      %dma_start3A_16 = arith.constant 0 : i32
      %dma_start3A_17 = tpu.memref_slice %arg2[%add3A, %dma_start3A_16] : memref<32x10000xi32, #tpu.memory_space<hbm>> -> memref<1x10000xi32, #tpu.memory_space<hbm>>
      %dma_start3A_18 = tpu.memref_squeeze %dma_start3A_17 : memref<1x10000xi32, #tpu.memory_space<hbm>> -> memref<10000xi32, #tpu.memory_space<hbm>>
      tpu.enqueue_dma source(%dma_start3A_18 : memref<10000xi32, #tpu.memory_space<hbm>>) target(%arg5 : memref<10000xi32, #tpu.memory_space<vmem>>) target_semaphore(%run_scoped3A : memref<!tpu.dma_semaphore, #tpu.memory_space<semaphore_mem>>)
      %dma_wait3A = arith.constant 0 : i32
      %dma_wait3A_19 = tpu.memref_slice %arg2[%add3A, %dma_wait3A] : memref<32x10000xi32, #tpu.memory_space<hbm>> -> memref<1x10000xi32, #tpu.memory_space<hbm>>
      %dma_wait3A_20 = tpu.memref_squeeze %dma_wait3A_19 : memref<1x10000xi32, #tpu.memory_space<hbm>> -> memref<10000xi32, #tpu.memory_space<hbm>>
      %dma_wait3A_21 = arith.constant 0 : i32
      %dma_wait3A_22 = tpu.memref_slice %arg2[%add3A, %dma_wait3A_21] : memref<32x10000xi32, #tpu.memory_space<hbm>> -> memref<1x10000xi32, #tpu.memory_space<hbm>>
      %dma_wait3A_23 = tpu.memref_squeeze %dma_wait3A_22 : memref<1x10000xi32, #tpu.memory_space<hbm>> -> memref<10000xi32, #tpu.memory_space<hbm>>
      tpu.wait_dma2 semaphore(%run_scoped3A : memref<!tpu.dma_semaphore, #tpu.memory_space<semaphore_mem>>) src(%dma_wait3A_23 : memref<10000xi32, #tpu.memory_space<hbm>>) dst(%arg5 : memref<10000xi32, #tpu.memory_space<vmem>>)
      tpu.yield
    }) : () -> ()
    "tpu.region"() ({
      %run_scoped3A = tpu.sem_alloc : memref<!tpu.dma_semaphore, #tpu.memory_space<semaphore_mem>>
      %dma_start3A = arith.constant 0 : i32
      %dma_start3A_14 = tpu.memref_slice %arg3[%add3A, %dma_start3A] : memref<32x10000xf32, #tpu.memory_space<hbm>> -> memref<1x10000xf32, #tpu.memory_space<hbm>>
      %dma_start3A_15 = tpu.memref_squeeze %dma_start3A_14 : memref<1x10000xf32, #tpu.memory_space<hbm>> -> memref<10000xf32, #tpu.memory_space<hbm>>
      %dma_start3A_16 = arith.constant 0 : i32
      %dma_start3A_17 = tpu.memref_slice %arg3[%add3A, %dma_start3A_16] : memref<32x10000xf32, #tpu.memory_space<hbm>> -> memref<1x10000xf32, #tpu.memory_space<hbm>>
      %dma_start3A_18 = tpu.memref_squeeze %dma_start3A_17 : memref<1x10000xf32, #tpu.memory_space<hbm>> -> memref<10000xf32, #tpu.memory_space<hbm>>
      tpu.enqueue_dma source(%dma_start3A_18 : memref<10000xf32, #tpu.memory_space<hbm>>) target(%arg6 : memref<10000xf32, #tpu.memory_space<vmem>>) target_semaphore(%run_scoped3A : memref<!tpu.dma_semaphore, #tpu.memory_space<semaphore_mem>>)
      %dma_wait3A = arith.constant 0 : i32
      %dma_wait3A_19 = tpu.memref_slice %arg3[%add3A, %dma_wait3A] : memref<32x10000xf32, #tpu.memory_space<hbm>> -> memref<1x10000xf32, #tpu.memory_space<hbm>>
      %dma_wait3A_20 = tpu.memref_squeeze %dma_wait3A_19 : memref<1x10000xf32, #tpu.memory_space<hbm>> -> memref<10000xf32, #tpu.memory_space<hbm>>
      %dma_wait3A_21 = arith.constant 0 : i32
      %dma_wait3A_22 = tpu.memref_slice %arg3[%add3A, %dma_wait3A_21] : memref<32x10000xf32, #tpu.memory_space<hbm>> -> memref<1x10000xf32, #tpu.memory_space<hbm>>
      %dma_wait3A_23 = tpu.memref_squeeze %dma_wait3A_22 : memref<1x10000xf32, #tpu.memory_space<hbm>> -> memref<10000xf32, #tpu.memory_space<hbm>>
      tpu.wait_dma2 semaphore(%run_scoped3A : memref<!tpu.dma_semaphore, #tpu.memory_space<semaphore_mem>>) src(%dma_wait3A_23 : memref<10000xf32, #tpu.memory_space<hbm>>) dst(%arg6 : memref<10000xf32, #tpu.memory_space<vmem>>)
      tpu.yield
    }) : () -> ()
    %scan3A = arith.constant 0 : i32
    %scan3A_1 = arith.constant 0 : i32
    %scan3A_2 = arith.constant 640 : i32
    %scan3A_3 = arith.addi %scan3A_1, %scan3A_2 : i32
    %scan3A_4 = arith.constant 1 : i32
    %scan3A_5 = scf.for %scan3A_14 = %scan3A_1 to %scan3A_3 step %scan3A_4 iter_args(%scan3A_15 = %scan3A) -> (i32)  : i32 {
      %broadcast_in_dim3A = arith.constant 0.000000e+00 : f32
      %broadcast_in_dim3A_16 = vector.broadcast %broadcast_in_dim3A : f32 to vector<16xf32>
      %mul3A_17 = arith.constant 16 : i32
      %mul3A_18 = arith.muli %scan3A_14, %mul3A_17 : i32
      %swap3A = arith.index_cast %mul3A_18 : i32 to index
      %swap3A_19 = tpu.vector_load %arg7[%swap3A] {strides = array<i32>} : memref<10240xf32, #tpu.memory_space<vmem>>, vector<16xf32>,
      tpu.vector_store %arg7[%swap3A], %broadcast_in_dim3A_16 {strides = array<i32>} : memref<10240xf32, #tpu.memory_space<vmem>>, vector<16xf32>,
      %scan3A_20 = arith.constant 0 : i32
      scf.yield %scan3A_20 : i32
    }
    %scan3A_6 = arith.constant 640 : i32
    %scan3A_7 = arith.constant 0 : i32
    %scan3A_8 = arith.constant 0 : i32
    %scan3A_9 = arith.constant 625 : i32
    %scan3A_10 = arith.addi %scan3A_8, %scan3A_9 : i32
    %scan3A_11 = arith.constant 1 : i32
    %scan3A_12 = scf.for %scan3A_14 = %scan3A_8 to %scan3A_10 step %scan3A_11 iter_args(%scan3A_15 = %scan3A_7) -> (i32)  : i32 {
      %mul3A_16 = arith.constant 16 : i32
      %mul3A_17 = arith.muli %scan3A_14, %mul3A_16 : i32
      %get3A = arith.index_cast %mul3A_17 : i32 to index
      %get3A_18 = tpu.vector_load %arg5[%get3A] {strides = array<i32>} : memref<10000xi32, #tpu.memory_space<vmem>>, vector<16xi32>,
      %mul3A_19 = arith.constant 16 : i32
      %mul3A_20 = arith.muli %scan3A_14, %mul3A_19 : i32
      %get3A_21 = arith.index_cast %mul3A_20 : i32 to index
      %get3A_22 = tpu.vector_load %arg6[%get3A_21] {strides = array<i32>} : memref<10000xf32, #tpu.memory_space<vmem>>, vector<16xf32>,
      tpu.vector_store_idx %arg7[%get3A_18], %get3A_22 {add = true} : memref<10240xf32, #tpu.memory_space<vmem>>[vector<16xi32>], vector<16xf32>,
      %scan3A_23 = arith.constant 0 : i32
      scf.yield %scan3A_23 : i32
    }
    %scan3A_13 = arith.constant 625 : i32
    "tpu.region"() ({
      %run_scoped3A = tpu.sem_alloc : memref<!tpu.dma_semaphore, #tpu.memory_space<semaphore_mem>>
      %dma_start3A = arith.constant 0 : i32
      %dma_start3A_14 = tpu.memref_slice %arg4[%add3A, %dma_start3A] : memref<32x10240xf32, #tpu.memory_space<hbm>> -> memref<1x10240xf32, #tpu.memory_space<hbm>>
      %dma_start3A_15 = tpu.memref_squeeze %dma_start3A_14 : memref<1x10240xf32, #tpu.memory_space<hbm>> -> memref<10240xf32, #tpu.memory_space<hbm>>
      %dma_start3A_16 = arith.constant 0 : i32
      %dma_start3A_17 = tpu.memref_slice %arg4[%add3A, %dma_start3A_16] : memref<32x10240xf32, #tpu.memory_space<hbm>> -> memref<1x10240xf32, #tpu.memory_space<hbm>>
      %dma_start3A_18 = tpu.memref_squeeze %dma_start3A_17 : memref<1x10240xf32, #tpu.memory_space<hbm>> -> memref<10240xf32, #tpu.memory_space<hbm>>
      tpu.enqueue_dma source(%arg7 : memref<10240xf32, #tpu.memory_space<vmem>>) target(%dma_start3A_18 : memref<10240xf32, #tpu.memory_space<hbm>>) target_semaphore(%run_scoped3A : memref<!tpu.dma_semaphore, #tpu.memory_space<semaphore_mem>>)
      %dma_wait3A = arith.constant 0 : i32
      %dma_wait3A_19 = tpu.memref_slice %arg4[%add3A, %dma_wait3A] : memref<32x10240xf32, #tpu.memory_space<hbm>> -> memref<1x10240xf32, #tpu.memory_space<hbm>>
      %dma_wait3A_20 = tpu.memref_squeeze %dma_wait3A_19 : memref<1x10240xf32, #tpu.memory_space<hbm>> -> memref<10240xf32, #tpu.memory_space<hbm>>
      %dma_wait3A_21 = arith.constant 0 : i32
      %dma_wait3A_22 = tpu.memref_slice %arg4[%add3A, %dma_wait3A_21] : memref<32x10240xf32, #tpu.memory_space<hbm>> -> memref<1x10240xf32, #tpu.memory_space<hbm>>
      %dma_wait3A_23 = tpu.memref_squeeze %dma_wait3A_22 : memref<1x10240xf32, #tpu.memory_space<hbm>> -> memref<10240xf32, #tpu.memory_space<hbm>>
      tpu.wait_dma2 semaphore(%run_scoped3A : memref<!tpu.dma_semaphore, #tpu.memory_space<semaphore_mem>>) src(%arg7 : memref<10240xf32, #tpu.memory_space<vmem>>) dst(%dma_wait3A_23 : memref<10240xf32, #tpu.memory_space<hbm>>)
      tpu.yield
    }) : () -> ()
    return
  }
}

module attributes {stable_mosaic.version = 14 : i64} {
  func.func @_prep_body(%arg0: memref<10240x128xf32, #tpu.memory_space<vmem>>, %arg1: memref<128x128xf32, #tpu.memory_space<vmem>>, %arg2: memref<32x10240xf32, #tpu.memory_space<vmem>>, %arg3: memref<10240x128xf32, #tpu.memory_space<vmem>>, %arg4: memref<1x10240xf32, #tpu.memory_space<vmem>>) attributes {dimension_semantics = [], scalar_prefetch = 0 : i64, scratch_operands = 0 : i64, tpu.core_type = #tpu.core_type<tc>} {
    %get3A = arith.constant 0 : index
    %get3A_0 = arith.constant 0 : index
    %get3A_1 = vector.load %arg2[%get3A, %get3A_0] : memref<32x10240xf32, #tpu.memory_space<vmem>>, vector<32x10240xf32>
    %reduce_sum3A = arith.constant dense<0.000000e+00> : vector<10240xf32>
    %reduce_sum3A_2 = vector.multi_reduction <add>, %get3A_1, %reduce_sum3A [0] : vector<32x10240xf32> to vector<10240xf32>
    %broadcast_in_dim3A = vector.shape_cast %reduce_sum3A_2 : vector<10240xf32> to vector<1x10240xf32>
    %add3A = arith.constant 1.000000e+00 : f32
    %add3A_3 = vector.broadcast %add3A : f32 to vector<1x10240xf32>
    %add3A_4 = arith.addf %broadcast_in_dim3A, %add3A_3 : vector<1x10240xf32>
    %gt3A = arith.constant 0.000000e+00 : f32
    %gt3A_5 = vector.broadcast %gt3A : f32 to vector<1x10240xf32>
    %gt3A_6 = arith.cmpf ogt, %add3A_4, %gt3A_5 : vector<1x10240xf32>
    %max3A = arith.constant 9.99999974E-6 : f32
    %max3A_7 = vector.broadcast %max3A : f32 to vector<1x10240xf32>
    %max3A_8 = arith.maximumf %add3A_4, %max3A_7 : vector<1x10240xf32>
    %rsqrt3A = math.rsqrt %max3A_8 : vector<1x10240xf32>
    %jit3A = arith.constant 0.000000e+00 : f32
    %broadcast_in_dim3A_9 = vector.broadcast %jit3A : f32 to vector<1x10240xf32>
    %select_n3A = arith.select %gt3A_6, %rsqrt3A, %broadcast_in_dim3A_9 : vector<1x10240xi1>, vector<1x10240xf32>
    %swap3A = arith.constant 0 : index
    %swap3A_10 = arith.constant 0 : index
    %swap3A_11 = vector.load %arg4[%swap3A, %swap3A_10] : memref<1x10240xf32, #tpu.memory_space<vmem>>, vector<1x10240xf32>
    tpu.vector_store %arg4[%swap3A, %swap3A_10], %select_n3A {strides = array<i32>} : memref<1x10240xf32, #tpu.memory_space<vmem>>, vector<1x10240xf32>,
    %get3A_12 = arith.constant 0 : index
    %get3A_13 = arith.constant 0 : index
    %get3A_14 = vector.load %arg0[%get3A_12, %get3A_13] : memref<10240x128xf32, #tpu.memory_space<vmem>>, vector<10240x128xf32>
    %get3A_15 = arith.constant 0 : index
    %get3A_16 = arith.constant 0 : index
    %get3A_17 = vector.load %arg1[%get3A_15, %get3A_16] : memref<128x128xf32, #tpu.memory_space<vmem>>, vector<128x128xf32>
    %dot_general3A = arith.constant dense<0.000000e+00> : vector<10240x128xf32>
    %dot_general3A_18 = tpu.matmul %get3A_14, %get3A_17, %dot_general3A {dimension_numbers = #tpu.dot_dimension_numbers<[1], [0], [0], [1], [0, 0, 1, 1], [], []>, transpose_lhs_hint = false} : vector<10240x128xf32>, vector<128x128xf32>, vector<10240x128xf32> -> vector<10240x128xf32>
    %swap3A_19 = arith.constant 0 : index
    %swap3A_20 = arith.constant 0 : index
    %swap3A_21 = vector.load %arg3[%swap3A_19, %swap3A_20] : memref<10240x128xf32, #tpu.memory_space<vmem>>, vector<10240x128xf32>
    tpu.vector_store %arg3[%swap3A_19, %swap3A_20], %dot_general3A_18 {strides = array<i32>} : memref<10240x128xf32, #tpu.memory_space<vmem>>, vector<10240x128xf32>,
    return
  }
}

module attributes {stable_mosaic.version = 14 : i64} {
  func.func @_post_body(%arg0: memref<10000x128xf32, #tpu.memory_space<vmem>>, %arg1: memref<10000x128xf32, #tpu.memory_space<vmem>>, %arg2: memref<1x10000xi32, #tpu.memory_space<vmem>>, %arg3: memref<10000x1xi32, #tpu.memory_space<vmem>>, %arg4: memref<1x128xf32, #tpu.memory_space<vmem>>, %arg5: memref<1x128xf32, #tpu.memory_space<vmem>>, %arg6: memref<1x128xf32, #tpu.memory_space<vmem>>, %arg7: memref<1x128xf32, #tpu.memory_space<vmem>>, %arg8: memref<10000x128xf32, #tpu.memory_space<vmem>>, %arg9: memref<64x128xf32, #tpu.memory_space<vmem>>) attributes {dimension_semantics = [], scalar_prefetch = 0 : i64, scratch_operands = 0 : i64, tpu.core_type = #tpu.core_type<tc>} {
    %get3A = arith.constant 0 : index
    %get3A_0 = arith.constant 0 : index
    %get3A_1 = vector.load %arg0[%get3A, %get3A_0] : memref<10000x128xf32, #tpu.memory_space<vmem>>, vector<10000x128xf32>
    %get3A_2 = arith.constant 0 : index
    %get3A_3 = arith.constant 0 : index
    %get3A_4 = vector.load %arg1[%get3A_2, %get3A_3] : memref<10000x128xf32, #tpu.memory_space<vmem>>, vector<10000x128xf32>
    %add3A = arith.addf %get3A_1, %get3A_4 : vector<10000x128xf32>
    %get3A_5 = arith.constant 0 : index
    %get3A_6 = arith.constant 0 : index
    %get3A_7 = vector.load %arg4[%get3A_5, %get3A_6] : memref<1x128xf32, #tpu.memory_space<vmem>>, vector<1x128xf32>
    %add3A_8 = vector.broadcast %get3A_7 : vector<1x128xf32> to vector<10000x128xf32>
    %add3A_9 = arith.addf %add3A, %add3A_8 : vector<10000x128xf32>
    %iota3A = tpu.iota {dimensions = array<i32: 0>} : vector<64x1xi32>
    %iota3A_10 = tpu.iota {dimensions = array<i32: 1>} : vector<1x64xi32>
    %get3A_11 = arith.constant 0 : index
    %get3A_12 = arith.constant 0 : index
    %get3A_13 = vector.load %arg2[%get3A_11, %get3A_12] : memref<1x10000xi32, #tpu.memory_space<vmem>>, vector<1x10000xi32>
    %eq3A = vector.broadcast %get3A_13 : vector<1x10000xi32> to vector<64x10000xi32>
    %eq3A_14 = vector.broadcast %iota3A : vector<64x1xi32> to vector<64x10000xi32>
    %eq3A_15 = arith.cmpi eq, %eq3A, %eq3A_14 : vector<64x10000xi32>
    %convert_element_type3A = arith.extui %eq3A_15 : vector<64x10000xi1> to vector<64x10000xi32>
    %convert_element_type3A_16 = arith.sitofp %convert_element_type3A : vector<64x10000xi32> to vector<64x10000xf32>
    %get3A_17 = arith.constant 0 : index
    %get3A_18 = arith.constant 0 : index
    %get3A_19 = vector.load %arg3[%get3A_17, %get3A_18] : memref<10000x1xi32, #tpu.memory_space<vmem>>, vector<10000x1xi32>
    %eq3A_20 = vector.broadcast %get3A_19 : vector<10000x1xi32> to vector<10000x64xi32>
    %eq3A_21 = vector.broadcast %iota3A_10 : vector<1x64xi32> to vector<10000x64xi32>
    %eq3A_22 = arith.cmpi eq, %eq3A_20, %eq3A_21 : vector<10000x64xi32>
    %convert_element_type3A_23 = arith.extui %eq3A_22 : vector<10000x64xi1> to vector<10000x64xi32>
    %convert_element_type3A_24 = arith.sitofp %convert_element_type3A_23 : vector<10000x64xi32> to vector<10000x64xf32>
    %reduce_sum3A = arith.constant dense<0.000000e+00> : vector<64xf32>
    %reduce_sum3A_25 = vector.multi_reduction <add>, %convert_element_type3A_16, %reduce_sum3A [1] : vector<64x10000xf32> to vector<64xf32>
    %broadcast_in_dim3A = vector.shape_cast %reduce_sum3A_25 : vector<64xf32> to vector<64x1xf32>
    %max3A = arith.constant 1.000000e+00 : f32
    %max3A_26 = vector.broadcast %max3A : f32 to vector<64x1xf32>
    %max3A_27 = arith.maximumf %broadcast_in_dim3A, %max3A_26 : vector<64x1xf32>
    %dot_general3A = arith.constant dense<0.000000e+00> : vector<64x128xf32>
    %dot_general3A_28 = tpu.matmul %convert_element_type3A_16, %add3A_9, %dot_general3A {dimension_numbers = #tpu.dot_dimension_numbers<[1], [0], [0], [1], [0, 0, 1, 1], [], []>, transpose_lhs_hint = false} : vector<64x10000xf32>, vector<10000x128xf32>, vector<64x128xf32> -> vector<64x128xf32>
    %div3A = vector.broadcast %max3A_27 : vector<64x1xf32> to vector<64x128xf32>
    %div3A_29 = arith.divf %dot_general3A_28, %div3A : vector<64x128xf32>
    %dot_general3A_30 = arith.constant dense<0.000000e+00> : vector<10000x128xf32>
    %dot_general3A_31 = tpu.matmul %convert_element_type3A_24, %div3A_29, %dot_general3A_30 {dimension_numbers = #tpu.dot_dimension_numbers<[1], [0], [0], [1], [0, 0, 1, 1], [], []>, transpose_lhs_hint = false} : vector<10000x64xf32>, vector<64x128xf32>, vector<10000x128xf32> -> vector<10000x128xf32>
    %get3A_32 = arith.constant 0 : index
    %get3A_33 = arith.constant 0 : index
    %get3A_34 = vector.load %arg7[%get3A_32, %get3A_33] : memref<1x128xf32, #tpu.memory_space<vmem>>, vector<1x128xf32>
    %mul3A = vector.broadcast %get3A_34 : vector<1x128xf32> to vector<10000x128xf32>
    %mul3A_35 = arith.mulf %dot_general3A_31, %mul3A : vector<10000x128xf32>
    %sub3A = arith.subf %add3A_9, %mul3A_35 : vector<10000x128xf32>
    %mul3A_36 = arith.mulf %sub3A, %sub3A : vector<10000x128xf32>
    %dot_general3A_37 = arith.constant dense<0.000000e+00> : vector<64x128xf32>
    %dot_general3A_38 = tpu.matmul %convert_element_type3A_16, %mul3A_36, %dot_general3A_37 {dimension_numbers = #tpu.dot_dimension_numbers<[1], [0], [0], [1], [0, 0, 1, 1], [], []>, transpose_lhs_hint = false} : vector<64x10000xf32>, vector<10000x128xf32>, vector<64x128xf32> -> vector<64x128xf32>
    %div3A_39 = vector.broadcast %max3A_27 : vector<64x1xf32> to vector<64x128xf32>
    %div3A_40 = arith.divf %dot_general3A_38, %div3A_39 : vector<64x128xf32>
    %add3A_41 = arith.constant 9.99999974E-6 : f32
    %add3A_42 = vector.broadcast %add3A_41 : f32 to vector<64x128xf32>
    %add3A_43 = arith.addf %div3A_40, %add3A_42 : vector<64x128xf32>
    %rsqrt3A = math.rsqrt %add3A_43 : vector<64x128xf32>
    %dot_general3A_44 = arith.constant dense<0.000000e+00> : vector<10000x128xf32>
    %dot_general3A_45 = tpu.matmul %convert_element_type3A_24, %rsqrt3A, %dot_general3A_44 {dimension_numbers = #tpu.dot_dimension_numbers<[1], [0], [0], [1], [0, 0, 1, 1], [], []>, transpose_lhs_hint = false} : vector<10000x64xf32>, vector<64x128xf32>, vector<10000x128xf32> -> vector<10000x128xf32>
    %get3A_46 = arith.constant 0 : index
    %get3A_47 = arith.constant 0 : index
    %get3A_48 = vector.load %arg5[%get3A_46, %get3A_47] : memref<1x128xf32, #tpu.memory_space<vmem>>, vector<1x128xf32>
    %mul3A_49 = vector.broadcast %get3A_48 : vector<1x128xf32> to vector<10000x128xf32>
    %mul3A_50 = arith.mulf %mul3A_49, %sub3A : vector<10000x128xf32>
    %mul3A_51 = arith.mulf %mul3A_50, %dot_general3A_45 : vector<10000x128xf32>
    %get3A_52 = arith.constant 0 : index
    %get3A_53 = arith.constant 0 : index
    %get3A_54 = vector.load %arg6[%get3A_52, %get3A_53] : memref<1x128xf32, #tpu.memory_space<vmem>>, vector<1x128xf32>
    %add3A_55 = vector.broadcast %get3A_54 : vector<1x128xf32> to vector<10000x128xf32>
    %add3A_56 = arith.addf %mul3A_51, %add3A_55 : vector<10000x128xf32>
    %max3A_57 = arith.constant 0.000000e+00 : f32
    %max3A_58 = vector.broadcast %max3A_57 : f32 to vector<10000x128xf32>
    %max3A_59 = arith.maximumf %add3A_56, %max3A_58 : vector<10000x128xf32>
    %swap3A = arith.constant 0 : index
    %swap3A_60 = arith.constant 0 : index
    %swap3A_61 = vector.load %arg8[%swap3A, %swap3A_60] : memref<10000x128xf32, #tpu.memory_space<vmem>>, vector<10000x128xf32>
    tpu.vector_store %arg8[%swap3A, %swap3A_60], %max3A_59 {strides = array<i32>} : memref<10000x128xf32, #tpu.memory_space<vmem>>, vector<10000x128xf32>,
    %scan3A = arith.constant 0xFF800000 : f32
    %scan3A_62 = arith.constant 0 : i32
    %scan3A_63 = arith.constant 64 : i32
    %scan3A_64 = arith.addi %scan3A_62, %scan3A_63 : i32
    %scan3A_65 = arith.constant 1 : i32
    scf.for %scan3A_67 = %scan3A_62 to %scan3A_64 step %scan3A_65  : i32 {
      %get3A_68 = arith.constant 0 : index
      %get3A_69 = arith.constant 0 : index
      %get3A_70 = vector.load %arg3[%get3A_68, %get3A_69] : memref<10000x1xi32, #tpu.memory_space<vmem>>, vector<10000x1xi32>
      %eq3A_71 = vector.broadcast %scan3A_67 : i32 to vector<10000x1xi32>
      %eq3A_72 = arith.cmpi eq, %get3A_70, %eq3A_71 : vector<10000x1xi32>
      %broadcast_in_dim3A_73 = vector.shape_cast %eq3A_72 : vector<10000x1xi1> to vector<10000x1xi1>
      %broadcast_in_dim3A_74 = vector.broadcast %broadcast_in_dim3A_73 : vector<10000x1xi1> to vector<10000x128xi1>
      %broadcast_in_dim3A_75 = vector.broadcast %scan3A : f32 to vector<10000x128xf32>
      %select_n3A = arith.select %broadcast_in_dim3A_74, %max3A_59, %broadcast_in_dim3A_75 : vector<10000x128xi1>, vector<10000x128xf32>
      %reduce_max3A = arith.constant dense<0xFF800000> : vector<128xf32>
      %reduce_max3A_76 = vector.multi_reduction <maximumf>, %select_n3A, %reduce_max3A [0] : vector<10000x128xf32> to vector<128xf32>
      %broadcast_in_dim3A_77 = vector.shape_cast %reduce_max3A_76 : vector<128xf32> to vector<1x128xf32>
      %swap3A_78 = arith.index_cast %scan3A_67 : i32 to index
      %swap3A_79 = arith.constant 0 : index
      %swap3A_80 = vector.load %arg9[%swap3A_78, %swap3A_79] : memref<64x128xf32, #tpu.memory_space<vmem>>, vector<1x128xf32>
      tpu.vector_store %arg9[%swap3A_78, %swap3A_79], %broadcast_in_dim3A_77 {strides = array<i32>} : memref<64x128xf32, #tpu.memory_space<vmem>>, vector<1x128xf32>,
    }
    %scan3A_66 = arith.constant 64 : i32
    return
  }
}

</mosaic_0001>

<sc_bundles>
// kernel: kernel.6.cloned.1.call-start
scs
__scs_entry_jumppad:
0x0: {  	(pc) =	sbr.rel $0x88, $3  }
0x1: {  	(tag) =	ssettag $0x0;
	lr =	simm.s32 $0x1  }
0x2: {  	[smem:$0x3F98] =	sst lr;
	_ =	strace $0xD0000000  }
0x3: {  	_ = 	snop  }
0x4: {  	_ = 	snop  }
0x5: {  	_ = 	snop  }
0x6: {  	_ = 	snop  }
0x7: {  	_ = 	snop  }
__scs_overlays_trampoline_lowered:
0x8: {  	[smem:$0x3FA7] =	sst s0  }
0x9: {  	[smem:$0x3FA8] =	sst s1  }
0xa: {  	[smem:$0x3FA9] =	sst s2  }
0xb: {  	[smem:$0x3FAA] =	sst s3  }
0xc: {  	[smem:$0x3FAB] =	sst s4  }
0xd: {  	[smem:$0x3FAC] =	sst s5  }
0xe: {  	[smem:$0x3FAD] =	sst s6  }
0xf: {  	[smem:$0x3FAE] =	sst s7  }
0x10: {  	[smem:$0x3FAF] =	sst s8  }
0x11: {  	[smem:$0x3FB0] =	sst s9;
	s0 =	simm.s32 @!p0 $0x0  }
0x12: {  	s1 =	sld [smem:$0x3F96];
	s0 =	simm.s32 @p0 $0x1  }
0x13: {  	[smem:$0x3FB1] =	sst s0;
	s0 =	simm.s32 @!p1 $0x0  }
0x14: {  	s2 =	sld [smem:$0x3F95];
	s0 =	simm.s32 @p1 $0x1  }
0x15: {  	[smem:$0x3FB2] =	sst s0;
	s0 =	simm.s32 @!p2 $0x0  }
0x16: {  	s3 =	sld [smem:$0x3FDB];
	s0 =	simm.s32 @p2 $0x1  }
0x17: {  	s4 =	simm.s32 $0x1BF5;
	[smem:$0x3FB4] =	sst s0  }
0x18: {  	s0 =	sld [smem:$0x3F97];
	_ =	swait.ge [sflag:s4], $0x0  }
0x19: {  	s7 =	sld [smem:$0x3F98]  }
0x1a: {  	s8 =	sadd.s32 $0xFFFFE003, lr  }
0x1b: {  	s9 =	sadd.s32 $0xFFFFFEF7, lr;
	s5 =	simm.s32 $0xFFFFFFFF;
	p2 =	slt.u32 s8, $0xFFFFF086  }
0x1c: {  	p1 =	slt.u32 s9, $0xF7A;
	s5 =	simm.s32 @!p2 $0x0  }
0x1d: {  	s5 =	simm.s32 @p1 $0x1;
	p0 =	seq.s32 s7, s2  }
0x1e: {  	s7 =	smul.u32 @!p0 $0xF7A, s2;
	p2 =	seq.s32 @!p0 s5, $0x0  }
0x1f: {  	s9 =	smul.u32 $0xF7A, s1;
	s8 =	simm.s32 @!p0 $0x1BF5;
	p2 =	por !p2, p0  }
0x20: {  	[sflag:s8] =	ssyncset.s32 @!p0 $0xFFFFF086;
	s6 =	sadd.s32 @!p0 s3, s7;
	s7 =	simm.s32 @!p0 $0x108  }
0x21: {  	s3 =	sadd.s32 s3, s9;
	s6 =	sadd.s32 @!p0 $0x88, s6;
	s7 =	simm.s32 @p2 $0x1082  }
0x22: {  	[simem:s7], [sflag:s8] =	dma.local @!p0 [hbm:s6], $0xF7A  }
0x23: {  	s9 =	sor.u32 $0xD0000000, s2;
	s6 =	simm.s32 $0x108;
	_ =	swait.ge @!p0 [sflag:s8], $0x0  }
0x24: {  	s3 =	sadd.s32 $0x88, s3;
	s6 =	simm.s32 @!p1 $0x1082;
	[sflag:s4] =	ssyncset.s32 $0xFFFFF086  }
0x25: {  	[simem:s6], [sflag:s4] =	dma.local [hbm:s3], $0xF7A  }
0x26: {  	[smem:$0x3F98] =	sst s1;
	(tag) =	ssettag s2;
	_ =	strace s9  }
0x27: {  	s1 =	sld [smem:$0x3FA8]  }
0x28: {  	s2 =	sld [smem:$0x3FA9]  }
0x29: {  	s4 =	sld [smem:$0x3FAB]  }
0x2a: {  	p0 =	seq.s32 s5, $0x0;
	s5 =	sld [smem:$0x3FAC]  }
0x2b: {  	s6 =	sld [smem:$0x3FAD]  }
0x2c: {  	s7 =	sld [smem:$0x3FAE]  }
0x2d: {  	s3 =	simm.s32 $0x108;
	s8 =	sld [smem:$0x3FAF]  }
0x2e: {  	s3 =	simm.s32 @!p0 $0x1082;
	s9 =	sld [smem:$0x3FB0]  }
0x2f: {  	lr =	sadd.s32 s0, s3;
	s0 =	sld [smem:$0x3FA7]  }
0x30: {  	s3 =	sld [smem:$0x3FAA]  }
0x31: {  	[smem:$0x3FB3] =	sst s10  }
0x32: {  	s10 =	sld [smem:$0x3FB1];
	_ =	sdelay $0x3  }
0x33: {  	p0 =	seq.s32 s10, $0x1;
	s10 =	sld [smem:$0x3FB3];
	_ =	sdelay $0x3  }
0x34: {  	[smem:$0x3FB3] =	sst s10  }
0x35: {  	s10 =	sld [smem:$0x3FB2];
	_ =	sdelay $0x3  }
0x36: {  	p1 =	seq.s32 s10, $0x1;
	s10 =	sld [smem:$0x3FB3];
	_ =	sdelay $0x3  }
0x37: {  	[smem:$0x3FB3] =	sst s10  }
0x38: {  	s10 =	sld [smem:$0x3FB4]  }
0x39: {  	_ = 	snop;
	(pc) =	sbr.ind lr, $3  }
0x3a: {  	_ = 	snop  }
0x3b: {  	_ = 	snop  }
0x3c: {  	p2 =	seq.s32 s10, $0x1;
	s10 =	sld [smem:$0x3FB3]  }
0x3d: {  	_ =	shalt  }
0x3e: {  	_ =	shalt  }
0x3f: {  	_ =	shalt  }
0x40: {  	_ =	shalt  }
0x41: {  	_ =	shalt  }
0x42: {  	_ =	shalt  }
0x43: {  	_ =	shalt  }
0x44: {  	_ =	shalt  }
0x45: {  	_ =	shalt  }
0x46: {  	_ =	shalt  }
0x47: {  	_ =	shalt  }
0x48: {  	_ =	shalt  }
0x49: {  	_ =	shalt  }
0x4a: {  	_ =	shalt  }
0x4b: {  	_ =	shalt  }
0x4c: {  	_ =	shalt  }
0x4d: {  	_ =	shalt  }
0x4e: {  	_ =	shalt  }
0x4f: {  	_ =	shalt  }
0x50: {  	_ =	shalt  }
0x51: {  	_ =	shalt  }
0x52: {  	_ =	shalt  }
0x53: {  	_ =	shalt  }
0x54: {  	_ =	shalt  }
0x55: {  	_ =	shalt  }
0x56: {  	_ =	shalt  }
0x57: {  	_ =	shalt  }
0x58: {  	_ =	shalt  }
0x59: {  	_ =	shalt  }
0x5a: {  	_ =	shalt  }
0x5b: {  	_ =	shalt  }
0x5c: {  	_ =	shalt  }
0x5d: {  	_ =	shalt  }
0x5e: {  	_ =	shalt  }
0x5f: {  	_ =	shalt  }
0x60: {  	_ =	shalt  }
0x61: {  	_ =	shalt  }
0x62: {  	_ =	shalt  }
0x63: {  	_ =	shalt  }
0x64: {  	_ =	shalt  }
0x65: {  	_ =	shalt  }
0x66: {  	_ =	shalt  }
0x67: {  	_ =	shalt  }
0x68: {  	_ =	shalt  }
0x69: {  	_ =	shalt  }
0x6a: {  	_ =	shalt  }
0x6b: {  	_ =	shalt  }
0x6c: {  	_ =	shalt  }
0x6d: {  	_ =	shalt  }
0x6e: {  	_ =	shalt  }
0x6f: {  	_ =	shalt  }
0x70: {  	_ =	shalt  }
0x71: {  	_ =	shalt  }
0x72: {  	_ =	shalt  }
0x73: {  	_ =	shalt  }
0x74: {  	_ =	shalt  }
0x75: {  	_ =	shalt  }
0x76: {  	_ =	shalt  }
0x77: {  	_ =	shalt  }
0x78: {  	_ =	shalt  }
0x79: {  	_ =	shalt  }
0x7a: {  	_ =	shalt  }
0x7b: {  	_ =	shalt  }
0x7c: {  	_ =	shalt  }
0x7d: {  	_ =	shalt  }
0x7e: {  	_ =	shalt  }
0x7f: {  	_ =	shalt  }
0x80: {  	_ =	shalt  }
0x81: {  	_ =	shalt  }
0x82: {  	_ =	shalt  }
0x83: {  	_ =	shalt  }
0x84: {  	_ =	shalt  }
0x85: {  	_ =	shalt  }
0x86: {  	_ =	shalt  }
0x87: {  	_ =	shalt  }
.Lfunc_end0:
.L_simem_size_0:
called_computation_lowered:
.L_overlay_start_0:
0x88: {  	s2 =	sld [smem:$0x3FD9]  }
0x89: {  	s3 =	sld [smem:$0x3FFE];
	_ =	sdelay $0x1  }
0x8a: {  	s1 =	srdreg.scid  }
0x8b: {  	s0 =	sand.u32 $0x1, s1  }
0x8c: {  	s16 =	sshll.u32 s0, $0xA;
	s2 =	sadd.s32 s3, s2  }
0x8d: {  	s2 =	sadd.s32 s2, s16  }
0x8e: {  	[smem:$0x3FBF] =	sst s2  }
0x8f: {  	_ = 	snop  }
0x90: {  	(tm) =	ssettm $0x1  }
0x91: {  	s17 =	sld [smem:$0x3FFB];
	_ =	sdelay $0x3  }
0x92: {  	_ =	strace s17  }
0x93: {  	s2 =	sld [smem:$0x3FFC];
	_ =	sdelay $0x3  }
0x94: {  	_ =	strace s2  }
0x95: {  	s2 =	sld [smem:$0x3FFD];
	_ =	sdelay $0x3  }
0x96: {  	_ =	strace s2  }
0x97: {  	_ =	strace $0x8FFFFFFF  }
0x98: {  	s18 =	sld [smem:$0x3FDB];
	_ =	sdelay $0x1  }
0x99: {  	s19 =	simm.s32 $_scs_section_size  }
0x9a: {  	s4 =	simm.s32 $_size__tile_overlayer_lowered;
	s5 =	simm.s32 $_tile_overlayer_lowered  }
0x9b: {  	s22 =	simm.s32 $0x1BFF;
	s21 =	sshll.u32 s5, $0x1;
	s2 =	sadd.s32 s19, s18  }
0x9c: {  	s6 =	simm.s32 $0x0;
	s20 =	sshll.u32 s4, $0x1;
	s4 =	sadd.s32 s21, s2  }
0x9d: {  	[timem:s6], [sflag:s22] =	dma.local [hbm:s4], s20  }
0x9e: {  	_ =	swait.ge [sflag:s22], s20  }
0x9f: {  	s3 =	ssub.s32 $0x0, s20;
	[sflag:s22] =	ssyncset.done $0x0  }
0xa0: {  	[sflag:s22] =	ssyncadd.s32 s3;
	_ =	sdelay $0x1  }
0xa1: {  	s23 =	simm.s32 $0x1B8B  }
0xa2: {  	_ =	swait.ge [sflag:s23], $0x1  }
0xa3: {  	[sflag:s23] =	ssyncset.done $0x0  }
0xa4: {  	s25 =	simm.s32 $0x1B8E;
	s24 =	sld [smem:$0x3FFE];
	[sflag:s23] =	ssyncadd.s32 $0xFFFFFFFF  }
0xa5: {  	s26 =	simm.s32 $execute0_lowered;
	[smem:$0x3FD2] =	sst s25  }
0xa6: {  	s4 =	sshll.u32 s26, $0x1;
	_ =	strace $0x80000046;
	[dreg:$0x1] =	wrdreg $0xFFFFFFFF  }
0xa7: {  	s28 =	simm.s32 $_size_execute0_lowered;
	s2 =	sadd.s32 s2, s4;
	[dreg:$0x0] =	wrdreg $0x0  }
0xa8: {  	s4 =	sshll.u32 s28, $0x1;
	[dreg:$0x2] =	wrdreg s2  }
0xa9: {  	[dreg:$0x3] =	wrdreg s4  }
0xaa: {  	[dreg:$0x4] =	wrdreg $0xC0  }
0xab: {  	_ =	task [dreg:s6], $0x5FFFF  }
0xac: {  	[dreg:$0x1] =	wrdreg $0xFFFFFFFF  }
0xad: {  	[dreg:$0x0] =	wrdreg $0x60  }
0xae: {  	[dreg:$0x2] =	wrdreg s24  }
0xaf: {  	[dreg:$0x3] =	wrdreg $0x9  }
0xb0: {  	_ =	task.clear_ibuf [dreg:s6], $0x4FFFF;
	_ =	strace $0x90000046  }
0xb1: {  	s29 =	simm.s32 $0x9;
	_ =	strace $0x80000048  }
0xb2: {  	_ =	swait.ge [sflag:s29], $0x1  }
0xb3: {  	[sflag:s29] =	ssyncadd.s32 $0xFFFFFFFF  }
0xb4: {  	_ =	strace $0x90000048  }
0xb5: {  	_ =	sfence  }
0xb6: {  	s30 =	sld [smem:$0x0];
	_ =	sdelay $0x2  }
0xb7: {  	s31 =	sshll.u32 s1, $0xD;
	s1 =	sshrl.u32 s1, $0x2  }
0xb8: {  	s3 =	sand.u32 $0x4000, s31;
	s1 =	sadd.s32 s1, s30  }
0xb9: {  	s0 =	sor.u32 s3, s0;
	s1 =	sshll.u32 s1, $0x11  }
0xba: {  	s0 =	sor.u32 s1, s0  }
0xbb: {  	s0 =	sadd.s32 $0x8F2B, s0  }
0xbc: {  	[sflag:s0] =	ssyncadd.remote.s32 $0x1  }
0xbd: {  	_ =	sfence.sel $0xFFFF  }
0xbe: {  	[dreg:$0x0] =	wrdreg $0xFFFFFFFF;
	(pc) =	sbr.abs _section_cstart, $3  }
0xbf: {  	[dreg:$0x1] =	wrdreg $0xFFFFFFFF  }
0xc0: {  	_ =	task.clear_ibuf [dreg:s6], $0x2FFFF;
	_ =	strace $0x9FFFFFFF  }
0xc1: {  	(tm) =	ssettm $0x7FFFFFFF  }
tec
execute0_lowered:
.L_overlay_start_1:
0x0: {  	(tag) =	ssettag $0x1  }
0x1: {  	s3 =	rddreg [dreg:$0x0]  }
0x2: {  	s0 =	rddreg [dreg:$0x1];
	s2 =	simm.s32 $0x0;
	s4 =	srdreg.scid  }
0x3: {  	s1 =	stileid.u32;
	s9 =	simm.s32 $0x1;
	s10 =	simm.s32 $0x2780  }
0x4: {  	s11 =	simm.s32 $0x4F00;
	s4 =	sand.u32 $0x1, s4;
	s5 =	sshrl.u32 s1, $0x2  }
0x5: {  	s6 =	sshll.u32 s1, $0x8;
	[smem:$0x7FF] =	sst s2;
	s8 =	smul.u32 $0x13C00, s5  }
0x6: {  	s7 =	sshll.u32 s4, $0x7;
	s6 =	sand.u32 $0x300, s6;
	s5 =	smul.u32 $0x14000, s5  }
0x7: {  	s12 =	simm.s32 $0x0;
	_ =	strace $0x80000047;
	s6 =	sor.u32 s7, s6  }
0x8: {  	s4 =	ssub.s32 $0x2, s4;
	s7 =	sor.u32 s8, s6;
	s5 =	sor.u32 s5, s6  }
0x9: {  	s31 =	sshrl.u32 s4, $0x1;
	s7 =	sshrl.u32 s7, $0x3;
	s5 =	sshrl.u32 s5, $0x3  }
0xa: {  	s8 =	simm.s32 $0x400;
	s30 =	sadd.s32 s7, s3;
	s5 =	sadd.s32 s5, s3  }
0xb: {  	s7 =	ssub.s32 s4, s31;
	s3 =	sadd.s32 $0x2600, s30;
	s4 =	sadd.s32 $0xC400, s30  }
0xc: {  	v0 =	vimm.f32 $0.0e+00;
	s5 =	sadd.s32 $0x16200, s5;
	s6 =	smax.u32 s7, $0x1;
	s7 =	simm.s32 $0x80  }
.LBB2_1:
0xd: {  	[tilespmem:s2], [sflag:$0x1] =	stream.strided.gather [hbm4b:s3+s7], $0x2780, s8, s7, $0x38;
	[tilespmem:$0x7700] =	vst v63  }
0xe: {  	_ =	swait.ge [sflag:s9], $0x2780  }
0xf: {  	[sflag:s9] =	ssyncset.done $0x0  }
0x10: {  	[sflag:s9] =	ssyncadd.s32 $0xFFFFD880  }
0x11: {  	[tilespmem:s10], [sflag:$0x1] =	stream.strided.gather [hbm4b:s4+s7], $0x2780, s8, s7, $0x38;
	[tilespmem:$0x7700] =	vst v63  }
0x12: {  	_ =	swait.ge [sflag:s9], $0x2780  }
0x13: {  	[sflag:s9] =	ssyncset.done $0x0  }
0x14: {  	s13 =	simm.s32 $0x0;
	[sflag:s9] =	ssyncadd.s32 $0xFFFFD880  }
.LBB2_2:
0x15: {  	p0 =	sne.s32 s13, $0x9FC0  }
.Ltmp0:
0x16: {  	_ = 	snop;
	(pc) =	sbr.rel @p0 .LBB2_2-.Ltmp0, $3  }
0x17: {  	_ =	sdelay $0x1  }
0x18: {  	s14 =	sshra.s32 s13, $0x2  }
0x19: {  	s13 =	sadd.s32 $0x40, s13;
	[tilespmem:s14+$0x4F00] =	vst v0  }
0x1a: {  	s14 =	simm.s32 $0x0;
	s13 =	simm.s32 $0x40  }
.LBB2_4:
0x1b: {  	p0 =	sne.s32 s13, $0x9C00;
	v1 =	vld [tilespmem:s14+$0x0];
	_ =	sdelay $0x2  }
0x1c: {  	v2 =	vld [tilespmem:s14+$0x2780]  }
.Ltmp1:
0x1d: {  	(pc) =	sbr.rel @p0 .LBB2_4-.Ltmp1, $2  }
0x1e: {  	_ =	sdelay $0x2  }
0x1f: {  	s14 =	sshra.s32 s13, $0x2;
	s13 =	sadd.s32 $0x40, s13;
	[tilespmem:v1+s11+$0x0] =	vst.idx.add.f32.msk $0xffff, v2  }
0x20: {  	v1 =	vld [tilespmem:s14+$0x0];
	_ =	sdelay $0x2  }
0x21: {  	v2 =	vld [tilespmem:s14+$0x2780];
	_ =	sdelay $0x2  }
0x22: {  	s12 =	sadd.s32 $0x1, s12  }
0x23: {  	p0 =	sne.s32 s12, s6  }
.Ltmp2:
0x24: {  	[tilespmem:v1+s11+$0x0] =	vst.idx.add.f32.msk $0xffff, v2;
	(pc) =	sbr.rel @p0 .LBB2_1-.Ltmp2, $4  }
0x25: {  	[hbm4b:s5+s7] =	stream.strided.scatter [tilespmem:s11], [sflag:$0x1], $0x2800, s8, s7, $0x38;
	[tilespmem:$0x7700] =	vst v63  }
0x26: {  	_ =	swait.ge [sflag:s9], $0x2800  }
0x27: {  	[sflag:s9] =	ssyncset.done $0x0  }
0x28: {  	[sflag:s9] =	ssyncadd.s32 $0xFFFFD800  }
0x29: {  	_ =	sfence.sel $0x180000  }
0x2a: {  	[bflag:$0x0] =	sbarrier.arrive $0xFFFF  }
0x2b: {  	p0 =	sne.s32 s1, $0x0;
	_ =	strace $0x90000047  }
0x2c: {  	s0 =	sadd.s32 @!p0 $0x100000, s0;
	[bflag:$0x2] =	sbarrier.arrive $0xFFFF  }
0x2d: {  	[sflag:s0] =	ssyncadd.tile.s32 @!p0 $0x1;
	_ =	shalt  }
.Lfunc_end2:
_tile_overlayer_lowered:
.L_overlay_start_2:
0x2e: {  	(tag) =	ssettag $0x2  }
0x2f: {  	s0 =	rddreg [dreg:$0x0];
	s2 =	stileid.u32  }
0x30: {  	s1 =	rddreg [dreg:$0x1];
	p0 =	sne.s32 s2, $0x0  }
0x31: {  	s3 =	rddreg [dreg:$0x2];
	[bflag:$0x3] =	sbarrier.arrive $0xFFFF;
	s2 =	simm.s32 @!p0 $0x1C01  }
0x32: {  	[timem:s3], [sflag:s2] =	dma.local @!p0 [hbm:s0], s1  }
0x33: {  	s0 =	simm.s32 @!p0 $0x1  }
0x34: {  	_ =	swait.ge @!p0 [sflag:s0], s1  }
0x35: {  	s1 =	ssub.s32 @!p0 $0x0, s1;
	[sflag:s0] =	ssyncset.done @!p0 $0x0  }
0x36: {  	[sflag:s0] =	ssyncadd.s32 @!p0 s1  }
0x37: {  	[bflag:$0x3] =	sbarrier.arrive $0xFFFF  }
0x38: {  	_ =	shalt  }

// kernel: kernel.9.cloned.1.call-start
scs
__scs_entry_jumppad:
0x0: {  	(pc) =	sbr.rel $0x88, $3  }
0x1: {  	(tag) =	ssettag $0x0;
	lr =	simm.s32 $0x1  }
0x2: {  	[smem:$0x3F98] =	sst lr;
	_ =	strace $0xD0000000  }
0x3: {  	_ = 	snop  }
0x4: {  	_ = 	snop  }
0x5: {  	_ = 	snop  }
0x6: {  	_ = 	snop  }
0x7: {  	_ = 	snop  }
__scs_overlays_trampoline_lowered:
0x8: {  	[smem:$0x3FA7] =	sst s0  }
0x9: {  	[smem:$0x3FA8] =	sst s1  }
0xa: {  	[smem:$0x3FA9] =	sst s2  }
0xb: {  	[smem:$0x3FAA] =	sst s3  }
0xc: {  	[smem:$0x3FAB] =	sst s4  }
0xd: {  	[smem:$0x3FAC] =	sst s5  }
0xe: {  	[smem:$0x3FAD] =	sst s6  }
0xf: {  	[smem:$0x3FAE] =	sst s7  }
0x10: {  	[smem:$0x3FAF] =	sst s8  }
0x11: {  	[smem:$0x3FB0] =	sst s9;
	s0 =	simm.s32 @!p0 $0x0  }
0x12: {  	s1 =	sld [smem:$0x3F96];
	s0 =	simm.s32 @p0 $0x1  }
0x13: {  	[smem:$0x3FB1] =	sst s0;
	s0 =	simm.s32 @!p1 $0x0  }
0x14: {  	s2 =	sld [smem:$0x3F95];
	s0 =	simm.s32 @p1 $0x1  }
0x15: {  	[smem:$0x3FB2] =	sst s0;
	s0 =	simm.s32 @!p2 $0x0  }
0x16: {  	s3 =	sld [smem:$0x3FDB];
	s0 =	simm.s32 @p2 $0x1  }
0x17: {  	s4 =	simm.s32 $0x1BF5;
	[smem:$0x3FB4] =	sst s0  }
0x18: {  	s0 =	sld [smem:$0x3F97];
	_ =	swait.ge [sflag:s4], $0x0  }
0x19: {  	s7 =	sld [smem:$0x3F98]  }
0x1a: {  	s8 =	sadd.s32 $0xFFFFE003, lr  }
0x1b: {  	s9 =	sadd.s32 $0xFFFFFEF7, lr;
	s5 =	simm.s32 $0xFFFFFFFF;
	p2 =	slt.u32 s8, $0xFFFFF086  }
0x1c: {  	p1 =	slt.u32 s9, $0xF7A;
	s5 =	simm.s32 @!p2 $0x0  }
0x1d: {  	s5 =	simm.s32 @p1 $0x1;
	p0 =	seq.s32 s7, s2  }
0x1e: {  	s7 =	smul.u32 @!p0 $0xF7A, s2;
	p2 =	seq.s32 @!p0 s5, $0x0  }
0x1f: {  	s9 =	smul.u32 $0xF7A, s1;
	s8 =	simm.s32 @!p0 $0x1BF5;
	p2 =	por !p2, p0  }
0x20: {  	[sflag:s8] =	ssyncset.s32 @!p0 $0xFFFFF086;
	s6 =	sadd.s32 @!p0 s3, s7;
	s7 =	simm.s32 @!p0 $0x108  }
0x21: {  	s3 =	sadd.s32 s3, s9;
	s6 =	sadd.s32 @!p0 $0x88, s6;
	s7 =	simm.s32 @p2 $0x1082  }
0x22: {  	[simem:s7], [sflag:s8] =	dma.local @!p0 [hbm:s6], $0xF7A  }
0x23: {  	s9 =	sor.u32 $0xD0000000, s2;
	s6 =	simm.s32 $0x108;
	_ =	swait.ge @!p0 [sflag:s8], $0x0  }
0x24: {  	s3 =	sadd.s32 $0x88, s3;
	s6 =	simm.s32 @!p1 $0x1082;
	[sflag:s4] =	ssyncset.s32 $0xFFFFF086  }
0x25: {  	[simem:s6], [sflag:s4] =	dma.local [hbm:s3], $0xF7A  }
0x26: {  	[smem:$0x3F98] =	sst s1;
	(tag) =	ssettag s2;
	_ =	strace s9  }
0x27: {  	s1 =	sld [smem:$0x3FA8]  }
0x28: {  	s2 =	sld [smem:$0x3FA9]  }
0x29: {  	s4 =	sld [smem:$0x3FAB]  }
0x2a: {  	p0 =	seq.s32 s5, $0x0;
	s5 =	sld [smem:$0x3FAC]  }
0x2b: {  	s6 =	sld [smem:$0x3FAD]  }
0x2c: {  	s7 =	sld [smem:$0x3FAE]  }
0x2d: {  	s3 =	simm.s32 $0x108;
	s8 =	sld [smem:$0x3FAF]  }
0x2e: {  	s3 =	simm.s32 @!p0 $0x1082;
	s9 =	sld [smem:$0x3FB0]  }
0x2f: {  	lr =	sadd.s32 s0, s3;
	s0 =	sld [smem:$0x3FA7]  }
0x30: {  	s3 =	sld [smem:$0x3FAA]  }
0x31: {  	[smem:$0x3FB3] =	sst s10  }
0x32: {  	s10 =	sld [smem:$0x3FB1];
	_ =	sdelay $0x3  }
0x33: {  	p0 =	seq.s32 s10, $0x1;
	s10 =	sld [smem:$0x3FB3];
	_ =	sdelay $0x3  }
0x34: {  	[smem:$0x3FB3] =	sst s10  }
0x35: {  	s10 =	sld [smem:$0x3FB2];
	_ =	sdelay $0x3  }
0x36: {  	p1 =	seq.s32 s10, $0x1;
	s10 =	sld [smem:$0x3FB3];
	_ =	sdelay $0x3  }
0x37: {  	[smem:$0x3FB3] =	sst s10  }
0x38: {  	s10 =	sld [smem:$0x3FB4]  }
0x39: {  	_ = 	snop;
	(pc) =	sbr.ind lr, $3  }
0x3a: {  	_ = 	snop  }
0x3b: {  	_ = 	snop  }
0x3c: {  	p2 =	seq.s32 s10, $0x1;
	s10 =	sld [smem:$0x3FB3]  }
0x3d: {  	_ =	shalt  }
0x3e: {  	_ =	shalt  }
0x3f: {  	_ =	shalt  }
0x40: {  	_ =	shalt  }
0x41: {  	_ =	shalt  }
0x42: {  	_ =	shalt  }
0x43: {  	_ =	shalt  }
0x44: {  	_ =	shalt  }
0x45: {  	_ =	shalt  }
0x46: {  	_ =	shalt  }
0x47: {  	_ =	shalt  }
0x48: {  	_ =	shalt  }
0x49: {  	_ =	shalt  }
0x4a: {  	_ =	shalt  }
0x4b: {  	_ =	shalt  }
0x4c: {  	_ =	shalt  }
0x4d: {  	_ =	shalt  }
0x4e: {  	_ =	shalt  }
0x4f: {  	_ =	shalt  }
0x50: {  	_ =	shalt  }
0x51: {  	_ =	shalt  }
0x52: {  	_ =	shalt  }
0x53: {  	_ =	shalt  }
0x54: {  	_ =	shalt  }
0x55: {  	_ =	shalt  }
0x56: {  	_ =	shalt  }
0x57: {  	_ =	shalt  }
0x58: {  	_ =	shalt  }
0x59: {  	_ =	shalt  }
0x5a: {  	_ =	shalt  }
0x5b: {  	_ =	shalt  }
0x5c: {  	_ =	shalt  }
0x5d: {  	_ =	shalt  }
0x5e: {  	_ =	shalt  }
0x5f: {  	_ =	shalt  }
0x60: {  	_ =	shalt  }
0x61: {  	_ =	shalt  }
0x62: {  	_ =	shalt  }
0x63: {  	_ =	shalt  }
0x64: {  	_ =	shalt  }
0x65: {  	_ =	shalt  }
0x66: {  	_ =	shalt  }
0x67: {  	_ =	shalt  }
0x68: {  	_ =	shalt  }
0x69: {  	_ =	shalt  }
0x6a: {  	_ =	shalt  }
0x6b: {  	_ =	shalt  }
0x6c: {  	_ =	shalt  }
0x6d: {  	_ =	shalt  }
0x6e: {  	_ =	shalt  }
0x6f: {  	_ =	shalt  }
0x70: {  	_ =	shalt  }
0x71: {  	_ =	shalt  }
0x72: {  	_ =	shalt  }
0x73: {  	_ =	shalt  }
0x74: {  	_ =	shalt  }
0x75: {  	_ =	shalt  }
0x76: {  	_ =	shalt  }
0x77: {  	_ =	shalt  }
0x78: {  	_ =	shalt  }
0x79: {  	_ =	shalt  }
0x7a: {  	_ =	shalt  }
0x7b: {  	_ =	shalt  }
0x7c: {  	_ =	shalt  }
0x7d: {  	_ =	shalt  }
0x7e: {  	_ =	shalt  }
0x7f: {  	_ =	shalt  }
0x80: {  	_ =	shalt  }
0x81: {  	_ =	shalt  }
0x82: {  	_ =	shalt  }
0x83: {  	_ =	shalt  }
0x84: {  	_ =	shalt  }
0x85: {  	_ =	shalt  }
0x86: {  	_ =	shalt  }
0x87: {  	_ =	shalt  }
.Lfunc_end0:
.L_simem_size_0:
called_computation.1_lowered:
.L_overlay_start_0:
0x88: {  	s2 =	sld [smem:$0x3FD9]  }
0x89: {  	s3 =	sld [smem:$0x3FFE];
	_ =	sdelay $0x1  }
0x8a: {  	s1 =	srdreg.scid  }
0x8b: {  	s0 =	sand.u32 $0x1, s1  }
0x8c: {  	s14 =	sshll.u32 s0, $0xA;
	s2 =	sadd.s32 s3, s2  }
0x8d: {  	s2 =	sadd.s32 s2, s14  }
0x8e: {  	[smem:$0x3FBF] =	sst s2  }
0x8f: {  	_ = 	snop  }
0x90: {  	s2 =	sld [smem:$0x3FD0];
	_ =	sdelay $0x2  }
0x91: {  	s15 =	simm.s32 $0xA;
	s4 =	simm.s32 $0x10  }
0x92: {  	[smem:s4], [sflag:s15] =	dma.local [hbm:s2], $0x1  }
0x93: {  	_ =	swait.eq [sflag:s15], $0x1  }
0x94: {  	s16 =	sld [smem:$0x10];
	[sflag:s15] =	ssyncset.done $0x0  }
0x95: {  	s17 =	sld [smem:$0x12];
	[sflag:s15] =	ssyncadd.s32 $0xFFFFFFFF  }
0x96: {  	s18 =	sld [smem:$0x14];
	(tm) =	ssettm $0x1  }
0x97: {  	s5 =	sld [smem:$0x3FFB];
	_ =	sdelay $0x3  }
0x98: {  	_ =	strace s5  }
0x99: {  	s5 =	sld [smem:$0x3FFC];
	_ =	sdelay $0x3  }
0x9a: {  	_ =	strace s5  }
0x9b: {  	s5 =	sld [smem:$0x3FFD];
	_ =	sdelay $0x3  }
0x9c: {  	_ =	strace s5  }
0x9d: {  	_ =	strace $0x8FFFFFFF  }
0x9e: {  	s19 =	sld [smem:$0x3FDB];
	_ =	sdelay $0x1  }
0x9f: {  	s6 =	simm.s32 $_scs_section_size  }
0xa0: {  	s7 =	simm.s32 $_size__tile_overlayer_lowered;
	s8 =	simm.s32 $_tile_overlayer_lowered  }
0xa1: {  	s22 =	simm.s32 $0x1BFF;
	s21 =	sshll.u32 s8, $0x1;
	s5 =	sadd.s32 s6, s19  }
0xa2: {  	s9 =	simm.s32 $0x0;
	s20 =	sshll.u32 s7, $0x1;
	s7 =	sadd.s32 s21, s5  }
0xa3: {  	[timem:s9], [sflag:s22] =	dma.local [hbm:s7], s20  }
0xa4: {  	_ =	swait.ge [sflag:s22], s20  }
0xa5: {  	s6 =	ssub.s32 $0x0, s20;
	[sflag:s22] =	ssyncset.done $0x0  }
0xa6: {  	[sflag:s22] =	ssyncadd.s32 s6;
	_ =	sdelay $0x1  }
0xa7: {  	s23 =	simm.s32 $0x1B8B  }
0xa8: {  	_ =	swait.ge [sflag:s23], $0x1  }
0xa9: {  	[sflag:s23] =	ssyncset.done $0x0  }
0xaa: {  	s25 =	simm.s32 $0x1B8E;
	s24 =	sld [smem:$0x3FFE];
	[sflag:s23] =	ssyncadd.s32 $0xFFFFFFFF  }
0xab: {  	s26 =	simm.s32 $execute0_lowered;
	[smem:$0x3FD2] =	sst s25  }
0xac: {  	s7 =	sshll.u32 s26, $0x1;
	_ =	strace $0x80000049;
	[dreg:$0x1] =	wrdreg $0xFFFFFFFF  }
0xad: {  	s28 =	simm.s32 $_size_execute0_lowered;
	s5 =	sadd.s32 s5, s7;
	[dreg:$0x0] =	wrdreg $0x0  }
0xae: {  	s7 =	sshll.u32 s28, $0x1;
	[dreg:$0x2] =	wrdreg s5  }
0xaf: {  	[dreg:$0x3] =	wrdreg s7  }
0xb0: {  	[dreg:$0x4] =	wrdreg $0xC0  }
0xb1: {  	_ =	task [dreg:s9], $0x5FFFF  }
0xb2: {  	[dreg:$0x1] =	wrdreg $0xFFFFFFFF  }
0xb3: {  	[dreg:$0x0] =	wrdreg $0x60  }
0xb4: {  	[dreg:$0x2] =	wrdreg s16  }
0xb5: {  	[dreg:$0x3] =	wrdreg s17  }
0xb6: {  	[dreg:$0x4] =	wrdreg s18  }
0xb7: {  	[dreg:$0x5] =	wrdreg s24  }
0xb8: {  	[dreg:$0x6] =	wrdreg $0x6A800  }
0xb9: {  	[dreg:$0x7] =	wrdreg $0x9  }
0xba: {  	_ =	task.clear_ibuf [dreg:s9], $0x8FFFF;
	_ =	strace $0x90000049  }
0xbb: {  	s29 =	simm.s32 $0x9;
	_ =	strace $0x8000004B  }
0xbc: {  	_ =	swait.ge [sflag:s29], $0x1  }
0xbd: {  	[sflag:s29] =	ssyncadd.s32 $0xFFFFFFFF  }
0xbe: {  	_ =	strace $0x9000004B  }
0xbf: {  	_ =	sfence  }
0xc0: {  	s30 =	sld [smem:$0x0];
	_ =	sdelay $0x2  }
0xc1: {  	s31 =	sshll.u32 s1, $0xD;
	s1 =	sshrl.u32 s1, $0x2  }
0xc2: {  	s3 =	sand.u32 $0x4000, s31;
	s1 =	sadd.s32 s1, s30  }
0xc3: {  	s0 =	sor.u32 s3, s0;
	s1 =	sshll.u32 s1, $0x11  }
0xc4: {  	s0 =	sor.u32 s1, s0  }
0xc5: {  	s0 =	sadd.s32 $0x8F2B, s0  }
0xc6: {  	[sflag:s0] =	ssyncadd.remote.s32 $0x1  }
0xc7: {  	_ =	sfence.sel $0xFFFF  }
0xc8: {  	[dreg:$0x0] =	wrdreg $0xFFFFFFFF;
	(pc) =	sbr.abs _section_cstart, $3  }
0xc9: {  	[dreg:$0x1] =	wrdreg $0xFFFFFFFF  }
0xca: {  	_ =	task.clear_ibuf [dreg:s9], $0x2FFFF;
	_ =	strace $0x9FFFFFFF  }
0xcb: {  	(tm) =	ssettm $0x7FFFFFFF  }
tec
execute0_lowered:
.L_overlay_start_1:
0x0: {  	(tag) =	ssettag $0x1  }
0x1: {  	s0 =	rddreg [dreg:$0x0]  }
0x2: {  	s1 =	rddreg [dreg:$0x1]  }
0x3: {  	s3 =	rddreg [dreg:$0x2]  }
0x4: {  	s8 =	rddreg [dreg:$0x3]  }
0x5: {  	s2 =	srdreg.scid;
	s5 =	rddreg [dreg:$0x4]  }
0x6: {  	s4 =	rddreg [dreg:$0x5];
	s6 =	simm.s32 $0x0;
	s17 =	simm.s32 $0x4280  }
0x7: {  	s18 =	simm.s32 $0x3;
	s19 =	simm.s32 $0x180;
	s20 =	simm.s32 $0x100  }
0x8: {  	s21 =	simm.s32 $0x80;
	s22 =	simm.s32 $0x1;
	s9 =	sand.u32 $0x1, s2  }
0x9: {  	s23 =	simm.s32 $0x2;
	s2 =	stileid.u32;
	s7 =	smul.u32 $0x140000, s9  }
0xa: {  	s24 =	simm.s32 $0x0;
	[smem:$0x7FF] =	sst s6;
	s10 =	smul.u32 $0x14000, s2  }
0xb: {  	s11 =	smul.u32 $0x50000, s2;
	s29 =	ssub.s32 $0x2, s9;
	s12 =	sshll.u32 s2, $0x1  }
0xc: {  	_ =	strace $0x8000004A;
	s31 =	sshrl.u32 s29, $0x1;
	s14 =	sor.u32 s9, s12  }
0xd: {  	s10 =	sadd.s32 s10, s7;
	s7 =	sadd.s32 $0x2600, s8;
	s30 =	sshrl.u32 s11, $0x2  }
0xe: {  	s16 =	ssub.s32 s29, s31;
	s12 =	smul.u32 $0x5100, s14;
	s10 =	sshrl.u32 s10, $0x3  }
0xf: {  	s14 =	smul.u32 $0x2880, s14;
	s15 =	sadd.s32 s10, s8;
	s8 =	sadd.s32 s30, s5  }
0x10: {  	s16 =	smax.u32 s16, $0x1;
	s9 =	sadd.s32 $0x4000, s8;
	s10 =	sadd.s32 $0x8000, s8  }
0x11: {  	v0 =	vimm.f32 $0.0e+00;
	s11 =	sadd.s32 $0xC000, s8;
	s13 =	sadd.s32 $0x10000, s8;
	s15 =	sadd.s32 $0x2A600, s15  }
.LBB2_1:
0x12: {  	[tilespmem:s17], [sflag:$0x3] =	stream.linear.gather [hbm4b:s3+s6], $0x2800, $0x38;
	[tilespmem:$0x1AA80] =	vst v63  }
0x13: {  	_ =	swait.ge [sflag:s18], $0x2800  }
0x14: {  	[sflag:s18] =	ssyncset.done $0x0  }
0x15: {  	s25 =	simm.s32 $0x0;
	s26 =	simm.s32 $0x200;
	[sflag:s18] =	ssyncadd.s32 $0xFFFFD800  }
.LBB2_2:
0x16: {  	p0 =	sne.s32 s26, $0xFE00;
	[tilespmem:s25+$0x1F0] =	vst v0  }
0x17: {  	[tilespmem:s25+$0x180] =	vst v0  }
0x18: {  	[tilespmem:s25+$0x190] =	vst v0  }
.Ltmp0:
0x19: {  	[tilespmem:s25+$0x1A0] =	vst v0;
	(pc) =	sbr.rel @p0 .LBB2_2-.Ltmp0, $4  }
0x1a: {  	[tilespmem:s25+$0x1B0] =	vst v0  }
0x1b: {  	[tilespmem:s25+$0x1C0] =	vst v0  }
0x1c: {  	[tilespmem:s25+$0x1D0] =	vst v0  }
0x1d: {  	[tilespmem:s25+$0x1E0] =	vst v0;
	s25 =	sshra.s32 s26, $0x2;
	s26 =	sadd.s32 $0x200, s26  }
0x1e: {  	[tilespmem:s25+$0x1F0] =	vst v0  }
0x1f: {  	[tilespmem:s25+$0x180] =	vst v0  }
0x20: {  	[tilespmem:s25+$0x190] =	vst v0  }
0x21: {  	[tilespmem:s25+$0x1A0] =	vst v0  }
0x22: {  	[tilespmem:s25+$0x1B0] =	vst v0  }
0x23: {  	[tilespmem:s25+$0x1C0] =	vst v0  }
0x24: {  	[tilespmem:s25+$0x1D0] =	vst v0  }
0x25: {  	[tilespmem:s25+$0x1E0] =	vst v0  }
0x26: {  	[spmem:s8] =	stream.linear.scatter [tilespmem:s19], [sflag:$0x3], $0x4000, $0x38;
	[tilespmem:$0x1AA80] =	vst v63  }
0x27: {  	_ =	swait.ge [sflag:s18], $0x4000  }
0x28: {  	[sflag:s18] =	ssyncset.done $0x0  }
0x29: {  	[sflag:s18] =	ssyncadd.s32 $0xFFFFC000  }
0x2a: {  	[spmem:s9] =	stream.linear.scatter [tilespmem:s19], [sflag:$0x3], $0x4000, $0x38;
	[tilespmem:$0x1AA80] =	vst v63  }
0x2b: {  	_ =	swait.ge [sflag:s18], $0x4000  }
0x2c: {  	[sflag:s18] =	ssyncset.done $0x0  }
0x2d: {  	[sflag:s18] =	ssyncadd.s32 $0xFFFFC000  }
0x2e: {  	[spmem:s10] =	stream.linear.scatter [tilespmem:s19], [sflag:$0x3], $0x4000, $0x38;
	[tilespmem:$0x1AA80] =	vst v63  }
0x2f: {  	_ =	swait.ge [sflag:s18], $0x4000  }
0x30: {  	[sflag:s18] =	ssyncset.done $0x0  }
0x31: {  	[sflag:s18] =	ssyncadd.s32 $0xFFFFC000  }
0x32: {  	[spmem:s11] =	stream.linear.scatter [tilespmem:s19], [sflag:$0x3], $0x4000, $0x38;
	[tilespmem:$0x1AA80] =	vst v63  }
0x33: {  	_ =	swait.ge [sflag:s18], $0x4000  }
0x34: {  	[sflag:s18] =	ssyncset.done $0x0  }
0x35: {  	[sflag:s18] =	ssyncadd.s32 $0xFFFFC000  }
0x36: {  	[spmem:s13] =	stream.linear.scatter [tilespmem:s19], [sflag:$0x3], $0x4000, $0x38;
	[tilespmem:$0x1AA80] =	vst v63  }
0x37: {  	_ =	swait.ge [sflag:s18], $0x4000  }
0x38: {  	[sflag:s18] =	ssyncset.done $0x0  }
0x39: {  	[sflag:s18] =	ssyncadd.s32 $0xFFFFC000  }
0x3a: {  	s25 =	simm.s32 $0x0;
	s26 =	simm.s32 $0x0;
	[bflag:$0x0] =	sbarrier.arrive $0xFFFF  }
.LBB2_4:
0x3b: {  	s28 =	sshll.u32 s26, $0x8  }
0x3c: {  	s28 =	sadd.s32 s12, s28  }
0x3d: {  	s28 =	sshrl.u32 s28, $0x3  }
0x3e: {  	s28 =	sadd.s32 s0, s28  }
0x3f: {  	[tilespmem:s25], [sflag:$0x3] =	stream.linear.gather [hbm4b:s28+s25], $0x100, $0x38;
	[tilespmem:$0x1AA80] =	vst v63  }
0x40: {  	s28 =	sshll.u32 s26, $0x7  }
0x41: {  	_ =	swait.ge [sflag:s18], $0x100;
	s28 =	sadd.s32 s14, s28  }
0x42: {  	[sflag:s18] =	ssyncset.done $0x0;
	s28 =	sshrl.u32 s28, $0x3  }
0x43: {  	[sflag:s18] =	ssyncadd.s32 $0xFFFFFF00;
	s28 =	sadd.s32 s1, s28  }
0x44: {  	[tilespmem:s20], [sflag:$0x3] =	stream.linear.gather [hbm4b:s28+s25], $0x80, $0x38;
	[tilespmem:$0x1AA80] =	vst v63  }
0x45: {  	_ =	swait.ge [sflag:s18], $0x80  }
0x46: {  	[sflag:s18] =	ssyncset.done $0x0  }
0x47: {  	[sflag:s18] =	ssyncadd.s32 $0xFFFFFF80  }
0x48: {  	[tilespmem:s19], [sflag:$0x1] =	stream.indirect.gather [hbm4b:s7+s21], $0x80, s25, s21, $0xb8;
	[tilespmem:$0x1AA80] =	vst v63  }
0x49: {  	v1 =	vld [tilespmem:$0x0];
	_ =	sdelay $0x1  }
0x4a: {  	v2 =	vld [tilespmem:$0x80];
	_ =	sdelay $0x4  }
0x4b: {  	v3 =	vld [tilespmem:$0x100]  }
0x4c: {  	v1 =	vld.idx.msk [tilespmem:v1+s17+$0x0], $0xffff  }
0x4d: {  	v4 =	vld [tilespmem:$0x10]  }
0x4e: {  	v2 =	vld.idx.msk [tilespmem:v2+s17+$0x0], $0xffff  }
0x4f: {  	v5 =	vld [tilespmem:$0x90];
	_ =	sdelay $0x1  }
0x50: {  	v1 =	vmul.f32 v1, v3;
	_ =	sdelay $0x1  }
0x51: {  	v1 =	vmul.f32 v2, v1;
	_ =	sdelay $0x1  }
0x52: {  	[tilespmem:$0x4180] =	vst v1;
	v1 =	vld [tilespmem:$0x110]  }
0x53: {  	v2 =	vld.idx.msk [tilespmem:v4+s17+$0x0], $0xffff  }
0x54: {  	v3 =	vld.idx.msk [tilespmem:v5+s17+$0x0], $0xffff  }
0x55: {  	v4 =	vld [tilespmem:$0x20]  }
0x56: {  	v5 =	vld [tilespmem:$0xA0];
	_ =	sdelay $0x1  }
0x57: {  	v1 =	vmul.f32 v2, v1;
	_ =	sdelay $0x1  }
0x58: {  	v1 =	vmul.f32 v3, v1;
	_ =	sdelay $0x1  }
0x59: {  	[tilespmem:$0x4190] =	vst v1;
	v1 =	vld [tilespmem:$0x120]  }
0x5a: {  	v2 =	vld.idx.msk [tilespmem:v4+s17+$0x0], $0xffff  }
0x5b: {  	v3 =	vld.idx.msk [tilespmem:v5+s17+$0x0], $0xffff  }
0x5c: {  	v4 =	vld [tilespmem:$0x30]  }
0x5d: {  	v5 =	vld [tilespmem:$0xB0];
	_ =	sdelay $0x1  }
0x5e: {  	v1 =	vmul.f32 v2, v1;
	_ =	sdelay $0x1  }
0x5f: {  	v1 =	vmul.f32 v3, v1;
	_ =	sdelay $0x1  }
0x60: {  	[tilespmem:$0x41A0] =	vst v1;
	v1 =	vld [tilespmem:$0x130]  }
0x61: {  	v2 =	vld.idx.msk [tilespmem:v4+s17+$0x0], $0xffff  }
0x62: {  	v3 =	vld.idx.msk [tilespmem:v5+s17+$0x0], $0xffff  }
0x63: {  	v4 =	vld [tilespmem:$0x40]  }
0x64: {  	v5 =	vld [tilespmem:$0xC0];
	_ =	sdelay $0x1  }
0x65: {  	v1 =	vmul.f32 v2, v1;
	_ =	sdelay $0x1  }
0x66: {  	v1 =	vmul.f32 v3, v1;
	_ =	sdelay $0x1  }
0x67: {  	[tilespmem:$0x41B0] =	vst v1;
	v1 =	vld [tilespmem:$0x140]  }
0x68: {  	v2 =	vld.idx.msk [tilespmem:v4+s17+$0x0], $0xffff  }
0x69: {  	v3 =	vld.idx.msk [tilespmem:v5+s17+$0x0], $0xffff  }
0x6a: {  	v4 =	vld [tilespmem:$0x50]  }
0x6b: {  	v5 =	vld [tilespmem:$0xD0];
	_ =	sdelay $0x1  }
0x6c: {  	v1 =	vmul.f32 v2, v1;
	_ =	sdelay $0x1  }
0x6d: {  	v1 =	vmul.f32 v3, v1;
	_ =	sdelay $0x1  }
0x6e: {  	[tilespmem:$0x41C0] =	vst v1;
	v1 =	vld [tilespmem:$0x150]  }
0x6f: {  	v2 =	vld.idx.msk [tilespmem:v4+s17+$0x0], $0xffff  }
0x70: {  	v3 =	vld.idx.msk [tilespmem:v5+s17+$0x0], $0xffff  }
0x71: {  	v4 =	vld [tilespmem:$0x60]  }
0x72: {  	v5 =	vld [tilespmem:$0xE0];
	_ =	sdelay $0x1  }
0x73: {  	v1 =	vmul.f32 v2, v1;
	_ =	sdelay $0x1  }
0x74: {  	v1 =	vmul.f32 v3, v1;
	_ =	sdelay $0x1  }
0x75: {  	[tilespmem:$0x41D0] =	vst v1;
	v1 =	vld [tilespmem:$0x160]  }
0x76: {  	v2 =	vld.idx.msk [tilespmem:v4+s17+$0x0], $0xffff  }
0x77: {  	v3 =	vld.idx.msk [tilespmem:v5+s17+$0x0], $0xffff  }
0x78: {  	v4 =	vld [tilespmem:$0x70];
	_ =	sdelay $0x1  }
0x79: {  	v5 =	vld [tilespmem:$0xF0]  }
0x7a: {  	v1 =	vmul.f32 v2, v1;
	_ =	sdelay $0x1  }
0x7b: {  	v1 =	vmul.f32 v3, v1;
	_ =	sdelay $0x1  }
0x7c: {  	[tilespmem:$0x41E0] =	vst v1;
	v1 =	vld [tilespmem:$0x170]  }
0x7d: {  	v2 =	vld.idx.msk [tilespmem:v4+s17+$0x0], $0xffff;
	_ =	sdelay $0x1  }
0x7e: {  	v3 =	vld.idx.msk [tilespmem:v5+s17+$0x0], $0xffff;
	_ =	sdelay $0x2  }
0x7f: {  	v1 =	vmul.f32 v2, v1;
	_ =	sdelay $0x1  }
0x80: {  	v1 =	vmul.f32 v3, v1;
	_ =	sdelay $0x1  }
0x81: {  	[tilespmem:$0x41F0] =	vst v1  }
0x82: {  	_ =	swait.ge [sflag:s22], $0x4000  }
0x83: {  	[sflag:s22] =	ssyncset.done $0x0  }
0x84: {  	s28 =	simm.s32 $0x1C0;
	[sflag:s22] =	ssyncadd.s32 $0xFFFFC000  }
0x85: {  	v5 =	vld [tilespmem:s28+$0x30]  }
0x86: {  	v8 =	vld [tilespmem:s28+$0x10]  }
0x87: {  	s29 =	simm.s32 $0x0;
	v6 =	vld [tilespmem:s28+$0xFFFFFFC0]  }
0x88: {  	v2 =	vld.msk [tilespmem:s29+$0x4180 ss:$0x0], $0xffff  }
0x89: {  	v10 =	vld [tilespmem:s28+$0xFFFFFFE0]  }
0x8a: {  	v1 =	vld [tilespmem:s28+$0xFFFFFFF0]  }
0x8b: {  	v3 =	vld [tilespmem:s28+$0x20]  }
0x8c: {  	v4 =	vld [tilespmem:s28+$0xFFFFFFD0]  }
0x8d: {  	v9 =	vmul.f32 v5, v2;
	v5 =	vld [tilespmem:s28+$0x0]  }
0x8e: {  	v7 =	vmul.f32 v2, v6  }
0x8f: {  	s30 =	simm.s32 $0x1C0;
	s29 =	simm.s32 $0x4;
	v6 =	vmul.f32 v10, v2;
	v8 =	vmul.f32 v8, v2  }
.LBB2_5:
0x90: {  	p0 =	sne.s32 s29, $0x1FC  }
0x91: {  	v4 =	vmul.f32 v4, v2;
	v3 =	vmul.f32 v3, v2;
	[tilespmem:s28+$0x30] =	vst v9;
	s30 =	sadd.s32 $0x80, s30;
	s31 =	smov.u32 s29;
	s29 =	sadd.s32 $0x4, s29  }
0x92: {  	[tilespmem:s28+$0xFFFFFFC0] =	vst v7;
	v7 =	vmul.f32 v1, v2;
	v2 =	vmul.f32 v5, v2  }
0x93: {  	[tilespmem:s28+$0x10] =	vst v8  }
0x94: {  	[tilespmem:s28+$0xFFFFFFE0] =	vst v6  }
0x95: {  	v1 =	vld [tilespmem:s30+$0xFFFFFFF0];
	[tilespmem:s28+$0xFFFFFFF0] =	vst v7  }
0x96: {  	v6 =	vld [tilespmem:s30+$0x30];
	[tilespmem:s28+$0x0] =	vst v2  }
0x97: {  	v8 =	vld [tilespmem:s30+$0x10];
	[tilespmem:s28+$0x20] =	vst v3  }
0x98: {  	s31 =	sshra.s32 s31, $0x2;
	v7 =	vld [tilespmem:s30+$0xFFFFFFC0];
	[tilespmem:s28+$0xFFFFFFD0] =	vst v4;
	s28 =	smov.u32 s30  }
0x99: {  	v2 =	vld.msk [tilespmem:s31+$0x4180 ss:$0x0], $0xffff  }
0x9a: {  	v10 =	vld [tilespmem:s30+$0xFFFFFFE0]  }
0x9b: {  	v3 =	vld [tilespmem:s30+$0x20]  }
.Ltmp1:
0x9c: {  	v4 =	vld [tilespmem:s30+$0xFFFFFFD0];
	(pc) =	sbr.rel @p0 .LBB2_5-.Ltmp1, $3  }
0x9d: {  	v5 =	vld [tilespmem:s30+$0x0];
	_ =	sdelay $0x1  }
0x9e: {  	v7 =	vmul.f32 v2, v7;
	v9 =	vmul.f32 v6, v2  }
0x9f: {  	v8 =	vmul.f32 v8, v2;
	v6 =	vmul.f32 v10, v2  }
0xa0: {  	[tilespmem:s28+$0x30] =	vst v9  }
0xa1: {  	[tilespmem:s28+$0xFFFFFFC0] =	vst v7  }
0xa2: {  	v1 =	vmul.f32 v1, v2;
	[tilespmem:s28+$0x10] =	vst v8  }
0xa3: {  	v3 =	vmul.f32 v3, v2;
	[tilespmem:s28+$0xFFFFFFE0] =	vst v6  }
0xa4: {  	v5 =	vmul.f32 v5, v2;
	[tilespmem:s28+$0xFFFFFFF0] =	vst v1  }
0xa5: {  	s26 =	sadd.s32 $0x1, s26;
	v1 =	vmul.f32 v4, v2;
	[tilespmem:s28+$0x20] =	vst v3  }
0xa6: {  	p0 =	sne.s32 s26, $0x51;
	[tilespmem:s28+$0x0] =	vst v5  }
.Ltmp2:
0xa7: {  	[tilespmem:s28+$0xFFFFFFD0] =	vst v1;
	(pc) =	sbr.rel @p0 .LBB2_4-.Ltmp2, $4  }
0xa8: {  	[spmem:s5] =	stream.indirect.scatter.add.f32 [tilespmem:s19], [sflag:$0x2], $0x80, s21, s21, $0xb8;
	[tilespmem:$0x1AA80] =	vst v63  }
0xa9: {  	_ =	swait.ge [sflag:s23], $0x4000  }
0xaa: {  	[sflag:s23] =	ssyncset.done $0x0  }
0xab: {  	[sflag:s23] =	ssyncadd.s32 $0xFFFFC000  }
0xac: {  	s24 =	sadd.s32 $0x1, s24  }
0xad: {  	s25 =	sshll.u32 s2, $0x6;
	[bflag:$0x0] =	sbarrier.arrive $0xFFFF;
	p0 =	sne.s32 s24, s16  }
.Ltmp3:
0xae: {  	s26 =	sshrl.u32 s8, $0x3;
	s25 =	sor.u32 $0x1C03, s25;
	(pc) =	sbr.rel @p0 .LBB2_1-.Ltmp3, $4  }
0xaf: {  	[hbm:s15], [sflag:s25] =	dma.local [spmem:s26], $0x2800  }
0xb0: {  	_ =	swait.ge [sflag:s18], $0x2800  }
0xb1: {  	[sflag:s18] =	ssyncset.done $0x0  }
0xb2: {  	[sflag:s18] =	ssyncadd.s32 $0xFFFFD800  }
0xb3: {  	_ =	sfence.sel $0x180000  }
0xb4: {  	[bflag:$0x0] =	sbarrier.arrive $0xFFFF  }
0xb5: {  	p0 =	sne.s32 s2, $0x0;
	_ =	strace $0x9000004A  }
0xb6: {  	s0 =	sadd.s32 @!p0 $0x100000, s4;
	[bflag:$0x2] =	sbarrier.arrive $0xFFFF  }
0xb7: {  	[sflag:s0] =	ssyncadd.tile.s32 @!p0 $0x1;
	_ =	shalt  }
.Lfunc_end2:
_tile_overlayer_lowered:
.L_overlay_start_2:
0xb8: {  	(tag) =	ssettag $0x2  }
0xb9: {  	s0 =	rddreg [dreg:$0x0];
	s2 =	stileid.u32  }
0xba: {  	s1 =	rddreg [dreg:$0x1];
	p0 =	sne.s32 s2, $0x0  }
0xbb: {  	s3 =	rddreg [dreg:$0x2];
	[bflag:$0x3] =	sbarrier.arrive $0xFFFF;
	s2 =	simm.s32 @!p0 $0x1C03  }
0xbc: {  	[timem:s3], [sflag:s2] =	dma.local @!p0 [hbm:s0], s1  }
0xbd: {  	s0 =	simm.s32 @!p0 $0x3  }
0xbe: {  	_ =	swait.ge @!p0 [sflag:s0], s1  }
0xbf: {  	s1 =	ssub.s32 @!p0 $0x0, s1;
	[sflag:s0] =	ssyncset.done @!p0 $0x0  }
0xc0: {  	[sflag:s0] =	ssyncadd.s32 @!p0 s1  }
0xc1: {  	[bflag:$0x3] =	sbarrier.arrive $0xFFFF  }
0xc2: {  	_ =	shalt  }

</sc_bundles>
